<compile_context>
chip_gen: v7x
topology: tpu7x:2x2x1
jax: 0.10.2.dev20260603
libtpu: 0.0.44.dev20260713+nightly
codegen_flags: <defaults>
</compile_context>

<pallas_src>
import functools

import jax
import jax.numpy as jnp
from jax import lax
from jax.experimental import pallas as pl
from jax.experimental.pallas import tpu as pltpu
from jax.experimental.pallas import tpu_sc as plsc

_NCH = 85
_NG = 128
_PLANE = _NG * _NG


def _sc_body(img_hbm, raw_hbm, out_hbm, img_v, in_v, in2_v, out_v):
    nb = raw_hbm.shape[0]
    n_units = nb * 3 * _NCH
    wid = lax.axis_index("s") * 2 + lax.axis_index("c")
    nw = 32
    pltpu.sync_copy(img_hbm, img_v)
    img = img_v[pl.ds(0, 16)]

    def unit_body(i, _):
        u = wid + nw * i

        @pl.when(u < n_units)
        def _run():
            b = u // (3 * _NCH)
            ch = u % (3 * _NCH)
            a = ch // _NCH
            c = ch % _NCH
            pltpu.sync_copy(raw_hbm.at[b, ch], in_v)

            aw = jnp.where(a == 1, 16.0, jnp.where(a == 2, 33.0, 10.0))
            ah = jnp.where(a == 1, 30.0, jnp.where(a == 2, 23.0, 13.0))

            @pl.when(c >= 4)
            def _sigmoid():
                def row(y, _):
                    for x0 in range(_NG // 16):
                        v = in_v[y, pl.ds(x0 * 16, 16)]
                        s = 1.0 / (1.0 + jnp.exp(-v))
                        out_v[pl.ds(y * _NG + x0 * 16, 16)] = s
                    return ()
                lax.fori_loop(0, _NG, row, ())

            @pl.when(c < 4)
            def _box():
                ch2 = jnp.where(c < 2, ch + 2, ch - 2)
                pltpu.sync_copy(raw_hbm.at[b, ch2], in2_v)
                an = jnp.where(c % 2 == 0, aw, ah)

                def row(y, _):
                    yf = y.astype(jnp.float32)
                    for x0 in range(_NG // 16):
                        v = in_v[y, pl.ds(x0 * 16, 16)]
                        v2 = in2_v[y, pl.ds(x0 * 16, 16)]
                        e1 = jnp.minimum(jnp.maximum(jnp.exp(v) * an, 0.0), img)
                        e2 = jnp.minimum(jnp.maximum(jnp.exp(v2) * an, 0.0), img)
                        xs = (lax.iota(jnp.int32, 16) + x0 * 16).astype(jnp.float32)
                        gx = (xs + 0.5) * 4.0
                        gy = (yf + 0.5) * 4.0
                        grid = jnp.where(c == 0, gx, gy)
                        res = jnp.where(c < 2,
                                        grid + (e2 - e1) * 0.5,
                                        e1 + e2)
                        out_v[pl.ds(y * _NG + x0 * 16, 16)] = res
                    return ()
                lax.fori_loop(0, _NG, row, ())

            pltpu.sync_copy(out_v, out_hbm.at[c, b, pl.ds(a * _PLANE, _PLANE)])

        return ()

    lax.fori_loop(0, (n_units + nw - 1) // nw, unit_body, ())


def kernel(raw, img_size):
    nB = raw.shape[0]
    nG = raw.shape[2]
    img = jnp.full((16,), img_size, dtype=jnp.float32)
    mesh = plsc.VectorSubcoreMesh(core_axis_name="c", subcore_axis_name="s")
    run = functools.partial(
        pl.kernel,
        mesh=mesh,
        out_type=jax.ShapeDtypeStruct((_NCH, nB, 3 * nG * nG), jnp.float32),
        scratch_types=[
            pltpu.VMEM((16,), jnp.float32),
            pltpu.VMEM((nG, nG), jnp.float32),
            pltpu.VMEM((nG, nG), jnp.float32),
            pltpu.VMEM((nG * nG,), jnp.float32),
        ],
    )(_sc_body)
    out = run(img, raw)
    return out.transpose(1, 2, 0)

# --- scband reference (transcript-rebuilt; emitter-appended) ---
"""Pipeline reference for scband-fcoslayer-7696581394898 (READ-ONLY COPY).

The authoritative reference and input builder live on the scoring server;
editing this copy changes nothing except your own understanding.
"""

import jax, jax.numpy as jnp
import numpy as np

ANCHORS_ALL = np.array([[10.0,13.0],[16.0,30.0],[33.0,23.0],[30.0,61.0],[62.0,45.0],[59.0,119.0],[116.0,90.0],[156.0,198.0],[373.0,326.0]], dtype=np.float32)
ANCHOR_INDICES = np.array([0, 1, 2], dtype=np.int64)
N_CLS = 80
STRIDE = 4


def _ltrb_to_xywh(ltrb, nG, stride):
    # ltrb: (..., nG, nG, 4); distances (left, top, right, bottom) from each grid-cell center
    y_ = jnp.arange(nG, dtype=jnp.float32)
    x_ = jnp.arange(nG, dtype=jnp.float32)
    mesh_y, mesh_x = jnp.meshgrid(y_, x_, indexing='ij')
    cx_grid = (mesh_x + 0.5) * stride  # (nG, nG)
    cy_grid = (mesh_y + 0.5) * stride
    l = ltrb[..., 0]
    t = ltrb[..., 1]
    r = ltrb[..., 2]
    b = ltrb[..., 3]
    cx = cx_grid + (r - l) * 0.5
    cy = cy_grid + (b - t) * 0.5
    w = l + r
    h = t + b
    return jnp.stack([cx, cy, w, h], axis=-1)


def setup_inputs(seed: int = 0) -> dict:
    key = jax.random.key(seed)
    raw = jax.random.normal(key, (16, 255, 128, 128), dtype=jnp.float32)
    return {"raw": raw, "img_size": 512}


def reference(raw, img_size):
    nB = raw.shape[0]
    nA = ANCHOR_INDICES.shape[0]
    nG = raw.shape[2]
    nCH = 5 + N_CLS
    assert raw.shape[2] == raw.shape[3]
    raw = raw.reshape(nB, nA, nCH, nG, nG)
    raw = jnp.transpose(raw, (0, 1, 3, 4, 2))  # (nB, nA, nG, nG, nCH)
    # preds = raw.detach().clone()
    preds = jax.lax.stop_gradient(raw)
    anchors = jnp.asarray(ANCHORS_ALL[ANCHOR_INDICES])  # (nA, 2)
    anch_w = anchors[:, 0].reshape(1, nA, 1, 1)
    anch_h = anchors[:, 1].reshape(1, nA, 1, 1)
    # ltrb_setting = 'exp_l2' -> exponential decode
    l = jnp.exp(preds[..., 0]) * anch_w
    t = jnp.exp(preds[..., 1]) * anch_h
    r = jnp.exp(preds[..., 2]) * anch_w
    b = jnp.exp(preds[..., 3]) * anch_h
    ltrb = jnp.stack([l, t, r, b], axis=-1)
    ltrb = jnp.clip(ltrb, 0.0, jnp.asarray(img_size, dtype=jnp.float32))
    xywh = _ltrb_to_xywh(ltrb, nG, STRIDE)
    conf = jax.nn.sigmoid(preds[..., 4:5])
    cls = jax.nn.sigmoid(preds[..., 5:])
    preds_out = jnp.concatenate([xywh, conf, cls], axis=-1)
    preds_out = preds_out.reshape(nB, nA * nG * nG, nCH)
    return preds_out

if __name__ == "__main__":
    import jax
    _d = setup_inputs()
    print(jax.jit(kernel)(*tuple(_d.values())))

</pallas_src>

<mosaic_0001>
#map = affine_map<(d0, d1) -> (0)>
#map1 = affine_map<(d0, d1) -> (0, 0, 0, 0)>
#map2 = affine_map<(d0, d1) -> (0, 0, 0)>
module attributes {stable_mosaic.version = 14 : i64} {
  func.func @_sc_body(%arg0: i32, %arg1: i32, %arg2: memref<16xf32, #tpu.memory_space<hbm>>, %arg3: memref<16x255x128x128xf32, #tpu.memory_space<hbm>>, %arg4: memref<85x16x49152xf32, #tpu.memory_space<hbm>>, %arg5: memref<16xf32, #tpu.memory_space<vmem>>, %arg6: memref<128x128xf32, #tpu.memory_space<vmem>>, %arg7: memref<128x128xf32, #tpu.memory_space<vmem>>, %arg8: memref<16384xf32, #tpu.memory_space<vmem>>) attributes {dimension_semantics = [#tpu.dimension_semantics<core_parallel>, #tpu.dimension_semantics<subcore_parallel>], iteration_bounds = array<i64: 2, 16>, scalar_prefetch = 0 : i64, scratch_operands = 4 : i64, tpu.core_type = #tpu.core_type<sc_vector_subcore>, window_params = [{transform_indices = #map}, {transform_indices = #map1}, {transform_indices = #map2}]} {
    %mul3A = arith.constant 2 : i32
    %mul3A_0 = arith.muli %arg1, %mul3A : i32
    %add3A = arith.addi %mul3A_0, %arg0 : i32
    "tpu.region"() ({
      %run_scoped3A = tpu.sem_alloc : memref<!tpu.dma_semaphore, #tpu.memory_space<semaphore_mem>>
      tpu.enqueue_dma source(%arg2 : memref<16xf32, #tpu.memory_space<hbm>>) target(%arg5 : memref<16xf32, #tpu.memory_space<vmem>>) target_semaphore(%run_scoped3A : memref<!tpu.dma_semaphore, #tpu.memory_space<semaphore_mem>>)
      tpu.wait_dma2 semaphore(%run_scoped3A : memref<!tpu.dma_semaphore, #tpu.memory_space<semaphore_mem>>) src(%arg2 : memref<16xf32, #tpu.memory_space<hbm>>) dst(%arg5 : memref<16xf32, #tpu.memory_space<vmem>>)
      tpu.yield
    }) : () -> ()
    %get3A = arith.constant 0 : index
    %get3A_1 = tpu.vector_load %arg5[%get3A] {strides = array<i32>} : memref<16xf32, #tpu.memory_space<vmem>>, vector<16xf32>,
    %get3A_2 = vector.shape_cast %get3A_1 : vector<16xf32> to vector<16xf32>
    %scan3A = arith.constant 0 : i32
    %scan3A_3 = arith.constant 128 : i32
    %scan3A_4 = arith.addi %scan3A, %scan3A_3 : i32
    %scan3A_5 = arith.constant 1 : i32
    scf.for %scan3A_7 = %scan3A to %scan3A_4 step %scan3A_5  : i32 {
      %mul3A_8 = arith.constant 32 : i32
      %mul3A_9 = arith.muli %mul3A_8, %scan3A_7 : i32
      %add3A_10 = arith.addi %add3A, %mul3A_9 : i32
      %lt3A = arith.constant 4080 : i32
      %lt3A_11 = arith.cmpi slt, %add3A_10, %lt3A : i32
      %convert_element_type3A = arith.extui %lt3A_11 : i1 to i32
      %cond3A = arith.constant 0 : i32
      %cond3A_12 = arith.cmpi ne, %convert_element_type3A, %cond3A : i32
      scf.if %cond3A_12 {
        %jit3A = arith.constant 255 : i32
        %div3A = arith.divsi %add3A_10, %jit3A : i32
        %sign3A = arith.constant 0 : i32
        %sign3A_13 = arith.cmpi sgt, %add3A_10, %sign3A : i32
        %sign3A_14 = arith.extui %sign3A_13 : i1 to i32
        %sign3A_15 = arith.constant 0 : i32
        %sign3A_16 = arith.cmpi slt, %add3A_10, %sign3A_15 : i32
        %sign3A_17 = arith.extui %sign3A_16 : i1 to i32
        %sign3A_18 = arith.subi %sign3A_14, %sign3A_17 : i32
        %sign3A_19 = arith.constant 0 : i32
        %sign3A_20 = arith.cmpi sgt, %jit3A, %sign3A_19 : i32
        %sign3A_21 = arith.extui %sign3A_20 : i1 to i32
        %sign3A_22 = arith.constant 0 : i32
        %sign3A_23 = arith.cmpi slt, %jit3A, %sign3A_22 : i32
        %sign3A_24 = arith.extui %sign3A_23 : i1 to i32
        %sign3A_25 = arith.subi %sign3A_21, %sign3A_24 : i32
        %ne3A = arith.cmpi ne, %sign3A_18, %sign3A_25 : i32
        %rem3A = arith.remsi %add3A_10, %jit3A : i32
        %ne3A_26 = arith.constant 0 : i32
        %ne3A_27 = arith.cmpi ne, %rem3A, %ne3A_26 : i32
        %and3A = arith.andi %ne3A, %ne3A_27 : i1
        %sub3A = arith.constant 1 : i32
        %sub3A_28 = arith.subi %div3A, %sub3A : i32
        %select_n3A = arith.select %and3A, %sub3A_28, %div3A : i32
        %jit3A_29 = arith.constant 255 : i32
        %eq3A = arith.constant 0 : i32
        %eq3A_30 = arith.cmpi eq, %jit3A_29, %eq3A : i32
        %jit3A_31 = arith.constant 1 : i32
        %select_n3A_32 = arith.select %eq3A_30, %jit3A_31, %jit3A_29 : i32
        %rem3A_33 = arith.remsi %add3A_10, %select_n3A_32 : i32
        %ne3A_34 = arith.constant 0 : i32
        %ne3A_35 = arith.cmpi ne, %rem3A_33, %ne3A_34 : i32
        %lt3A_36 = arith.constant 0 : i32
        %lt3A_37 = arith.cmpi slt, %rem3A_33, %lt3A_36 : i32
        %lt3A_38 = arith.constant 0 : i32
        %lt3A_39 = arith.cmpi slt, %select_n3A_32, %lt3A_38 : i32
        %ne3A_40 = arith.xori %lt3A_37, %lt3A_39 : i1
        %and3A_41 = arith.andi %ne3A_40, %ne3A_35 : i1
        %add3A_42 = arith.addi %rem3A_33, %select_n3A_32 : i32
        %select_n3A_43 = arith.select %and3A_41, %add3A_42, %rem3A_33 : i32
        %jit3A_44 = arith.constant 85 : i32
        %div3A_45 = arith.divsi %select_n3A_43, %jit3A_44 : i32
        %sign3A_46 = arith.constant 0 : i32
        %sign3A_47 = arith.cmpi sgt, %select_n3A_43, %sign3A_46 : i32
        %sign3A_48 = arith.extui %sign3A_47 : i1 to i32
        %sign3A_49 = arith.constant 0 : i32
        %sign3A_50 = arith.cmpi slt, %select_n3A_43, %sign3A_49 : i32
        %sign3A_51 = arith.extui %sign3A_50 : i1 to i32
        %sign3A_52 = arith.subi %sign3A_48, %sign3A_51 : i32
        %sign3A_53 = arith.constant 0 : i32
        %sign3A_54 = arith.cmpi sgt, %jit3A_44, %sign3A_53 : i32
        %sign3A_55 = arith.extui %sign3A_54 : i1 to i32
        %sign3A_56 = arith.constant 0 : i32
        %sign3A_57 = arith.cmpi slt, %jit3A_44, %sign3A_56 : i32
        %sign3A_58 = arith.extui %sign3A_57 : i1 to i32
        %sign3A_59 = arith.subi %sign3A_55, %sign3A_58 : i32
        %ne3A_60 = arith.cmpi ne, %sign3A_52, %sign3A_59 : i32
        %rem3A_61 = arith.remsi %select_n3A_43, %jit3A_44 : i32
        %ne3A_62 = arith.constant 0 : i32
        %ne3A_63 = arith.cmpi ne, %rem3A_61, %ne3A_62 : i32
        %and3A_64 = arith.andi %ne3A_60, %ne3A_63 : i1
        %sub3A_65 = arith.constant 1 : i32
        %sub3A_66 = arith.subi %div3A_45, %sub3A_65 : i32
        %select_n3A_67 = arith.select %and3A_64, %sub3A_66, %div3A_45 : i32
        %jit3A_68 = arith.constant 85 : i32
        %eq3A_69 = arith.constant 0 : i32
        %eq3A_70 = arith.cmpi eq, %jit3A_68, %eq3A_69 : i32
        %jit3A_71 = arith.constant 1 : i32
        %select_n3A_72 = arith.select %eq3A_70, %jit3A_71, %jit3A_68 : i32
        %rem3A_73 = arith.remsi %select_n3A_43, %select_n3A_72 : i32
        %ne3A_74 = arith.constant 0 : i32
        %ne3A_75 = arith.cmpi ne, %rem3A_73, %ne3A_74 : i32
        %lt3A_76 = arith.constant 0 : i32
        %lt3A_77 = arith.cmpi slt, %rem3A_73, %lt3A_76 : i32
        %lt3A_78 = arith.constant 0 : i32
        %lt3A_79 = arith.cmpi slt, %select_n3A_72, %lt3A_78 : i32
        %ne3A_80 = arith.xori %lt3A_77, %lt3A_79 : i1
        %and3A_81 = arith.andi %ne3A_80, %ne3A_75 : i1
        %add3A_82 = arith.addi %rem3A_73, %select_n3A_72 : i32
        %select_n3A_83 = arith.select %and3A_81, %add3A_82, %rem3A_73 : i32
        "tpu.region"() ({
          %run_scoped3A = tpu.sem_alloc : memref<!tpu.dma_semaphore, #tpu.memory_space<semaphore_mem>>
          %dma_start3A = arith.constant 0 : i32
          %dma_start3A_113 = arith.constant 0 : i32
          %dma_start3A_114 = tpu.memref_slice %arg3[%select_n3A, %select_n3A_43, %dma_start3A, %dma_start3A_113] : memref<16x255x128x128xf32, #tpu.memory_space<hbm>> -> memref<1x1x128x128xf32, #tpu.memory_space<hbm>>
          %dma_start3A_115 = tpu.memref_squeeze %dma_start3A_114 : memref<1x1x128x128xf32, #tpu.memory_space<hbm>> -> memref<128x128xf32, #tpu.memory_space<hbm>>
          %dma_start3A_116 = arith.constant 0 : i32
          %dma_start3A_117 = arith.constant 0 : i32
          %dma_start3A_118 = tpu.memref_slice %arg3[%select_n3A, %select_n3A_43, %dma_start3A_116, %dma_start3A_117] : memref<16x255x128x128xf32, #tpu.memory_space<hbm>> -> memref<1x1x128x128xf32, #tpu.memory_space<hbm>>
          %dma_start3A_119 = tpu.memref_squeeze %dma_start3A_118 : memref<1x1x128x128xf32, #tpu.memory_space<hbm>> -> memref<128x128xf32, #tpu.memory_space<hbm>>
          tpu.enqueue_dma source(%dma_start3A_119 : memref<128x128xf32, #tpu.memory_space<hbm>>) target(%arg6 : memref<128x128xf32, #tpu.memory_space<vmem>>) target_semaphore(%run_scoped3A : memref<!tpu.dma_semaphore, #tpu.memory_space<semaphore_mem>>)
          %dma_wait3A = arith.constant 0 : i32
          %dma_wait3A_120 = arith.constant 0 : i32
          %dma_wait3A_121 = tpu.memref_slice %arg3[%select_n3A, %select_n3A_43, %dma_wait3A, %dma_wait3A_120] : memref<16x255x128x128xf32, #tpu.memory_space<hbm>> -> memref<1x1x128x128xf32, #tpu.memory_space<hbm>>
          %dma_wait3A_122 = tpu.memref_squeeze %dma_wait3A_121 : memref<1x1x128x128xf32, #tpu.memory_space<hbm>> -> memref<128x128xf32, #tpu.memory_space<hbm>>
          %dma_wait3A_123 = arith.constant 0 : i32
          %dma_wait3A_124 = arith.constant 0 : i32
          %dma_wait3A_125 = tpu.memref_slice %arg3[%select_n3A, %select_n3A_43, %dma_wait3A_123, %dma_wait3A_124] : memref<16x255x128x128xf32, #tpu.memory_space<hbm>> -> memref<1x1x128x128xf32, #tpu.memory_space<hbm>>
          %dma_wait3A_126 = tpu.memref_squeeze %dma_wait3A_125 : memref<1x1x128x128xf32, #tpu.memory_space<hbm>> -> memref<128x128xf32, #tpu.memory_space<hbm>>
          tpu.wait_dma2 semaphore(%run_scoped3A : memref<!tpu.dma_semaphore, #tpu.memory_space<semaphore_mem>>) src(%dma_wait3A_126 : memref<128x128xf32, #tpu.memory_space<hbm>>) dst(%arg6 : memref<128x128xf32, #tpu.memory_space<vmem>>)
          tpu.yield
        }) : () -> ()
        %eq3A_84 = arith.constant 1 : i32
        %eq3A_85 = arith.cmpi eq, %select_n3A_67, %eq3A_84 : i32
        %eq3A_86 = arith.constant 2 : i32
        %eq3A_87 = arith.cmpi eq, %select_n3A_67, %eq3A_86 : i32
        %jit3A_88 = arith.constant 3.300000e+01 : f32
        %jit3A_89 = arith.constant 1.000000e+01 : f32
        %select_n3A_90 = arith.select %eq3A_87, %jit3A_88, %jit3A_89 : f32
        %jit3A_91 = arith.constant 1.600000e+01 : f32
        %select_n3A_92 = arith.select %eq3A_85, %jit3A_91, %select_n3A_90 : f32
        %eq3A_93 = arith.constant 1 : i32
        %eq3A_94 = arith.cmpi eq, %select_n3A_67, %eq3A_93 : i32
        %eq3A_95 = arith.constant 2 : i32
        %eq3A_96 = arith.cmpi eq, %select_n3A_67, %eq3A_95 : i32
        %jit3A_97 = arith.constant 2.300000e+01 : f32
        %jit3A_98 = arith.constant 1.300000e+01 : f32
        %select_n3A_99 = arith.select %eq3A_96, %jit3A_97, %jit3A_98 : f32
        %jit3A_100 = arith.constant 3.000000e+01 : f32
        %select_n3A_101 = arith.select %eq3A_94, %jit3A_100, %select_n3A_99 : f32
        %ge3A = arith.constant 4 : i32
        %ge3A_102 = arith.cmpi sge, %select_n3A_83, %ge3A : i32
        %convert_element_type3A_103 = arith.extui %ge3A_102 : i1 to i32
        %cond3A_104 = arith.constant 0 : i32
        %cond3A_105 = arith.cmpi ne, %convert_element_type3A_103, %cond3A_104 : i32
        scf.if %cond3A_105 {
          %scan3A_113 = arith.constant 0 : i32
          %scan3A_114 = arith.constant 128 : i32
          %scan3A_115 = arith.addi %scan3A_113, %scan3A_114 : i32
          %scan3A_116 = arith.constant 1 : i32
          scf.for %scan3A_118 = %scan3A_113 to %scan3A_115 step %scan3A_116  : i32 {
            %get3A_119 = arith.index_cast %scan3A_118 : i32 to index
            %get3A_120 = arith.constant 0 : index
            %get3A_121 = tpu.vector_load %arg6[%get3A_119, %get3A_120] {strides = array<i32>} : memref<128x128xf32, #tpu.memory_space<vmem>>, vector<1x16xf32>,
            %get3A_122 = vector.shape_cast %get3A_121 : vector<1x16xf32> to vector<16xf32>
            %neg3A = arith.constant 0.000000e+00 : f32
            %neg3A_123 = vector.broadcast %neg3A : f32 to vector<16xf32>
            %neg3A_124 = arith.subf %neg3A_123, %get3A_122 : vector<16xf32>
            %exp3A = math.exp %neg3A_124 : vector<16xf32>
            %add3A_125 = arith.constant 1.000000e+00 : f32
            %add3A_126 = vector.broadcast %add3A_125 : f32 to vector<16xf32>
            %add3A_127 = arith.addf %add3A_126, %exp3A : vector<16xf32>
            %div3A_128 = arith.constant 1.000000e+00 : f32
            %div3A_129 = vector.broadcast %div3A_128 : f32 to vector<16xf32>
            %div3A_130 = arith.divf %div3A_129, %add3A_127 : vector<16xf32>
            %mul3A_131 = arith.constant 128 : i32
            %mul3A_132 = arith.muli %scan3A_118, %mul3A_131 : i32
            %add3A_133 = arith.constant 0 : i32
            %add3A_134 = arith.addi %mul3A_132, %add3A_133 : i32
            %swap3A = arith.index_cast %add3A_134 : i32 to index
            %swap3A_135 = tpu.vector_load %arg8[%swap3A] {strides = array<i32>} : memref<16384xf32, #tpu.memory_space<vmem>>, vector<16xf32>,
            %swap3A_136 = vector.shape_cast %swap3A_135 : vector<16xf32> to vector<16xf32>
            %swap3A_137 = vector.shape_cast %div3A_130 : vector<16xf32> to vector<16xf32>
            tpu.vector_store %arg8[%swap3A], %swap3A_137 {strides = array<i32>} : memref<16384xf32, #tpu.memory_space<vmem>>, vector<16xf32>,
            %get3A_138 = arith.index_cast %scan3A_118 : i32 to index
            %get3A_139 = arith.constant 16 : index
            %get3A_140 = tpu.vector_load %arg6[%get3A_138, %get3A_139] {strides = array<i32>} : memref<128x128xf32, #tpu.memory_space<vmem>>, vector<1x16xf32>,
            %get3A_141 = vector.shape_cast %get3A_140 : vector<1x16xf32> to vector<16xf32>
            %neg3A_142 = arith.constant 0.000000e+00 : f32
            %neg3A_143 = vector.broadcast %neg3A_142 : f32 to vector<16xf32>
            %neg3A_144 = arith.subf %neg3A_143, %get3A_141 : vector<16xf32>
            %exp3A_145 = math.exp %neg3A_144 : vector<16xf32>
            %add3A_146 = arith.constant 1.000000e+00 : f32
            %add3A_147 = vector.broadcast %add3A_146 : f32 to vector<16xf32>
            %add3A_148 = arith.addf %add3A_147, %exp3A_145 : vector<16xf32>
            %div3A_149 = arith.constant 1.000000e+00 : f32
            %div3A_150 = vector.broadcast %div3A_149 : f32 to vector<16xf32>
            %div3A_151 = arith.divf %div3A_150, %add3A_148 : vector<16xf32>
            %mul3A_152 = arith.constant 128 : i32
            %mul3A_153 = arith.muli %scan3A_118, %mul3A_152 : i32
            %add3A_154 = arith.constant 16 : i32
            %add3A_155 = arith.addi %mul3A_153, %add3A_154 : i32
            %swap3A_156 = arith.index_cast %add3A_155 : i32 to index
            %swap3A_157 = tpu.vector_load %arg8[%swap3A_156] {strides = array<i32>} : memref<16384xf32, #tpu.memory_space<vmem>>, vector<16xf32>,
            %swap3A_158 = vector.shape_cast %swap3A_157 : vector<16xf32> to vector<16xf32>
            %swap3A_159 = vector.shape_cast %div3A_151 : vector<16xf32> to vector<16xf32>
            tpu.vector_store %arg8[%swap3A_156], %swap3A_159 {strides = array<i32>} : memref<16384xf32, #tpu.memory_space<vmem>>, vector<16xf32>,
            %get3A_160 = arith.index_cast %scan3A_118 : i32 to index
            %get3A_161 = arith.constant 32 : index
            %get3A_162 = tpu.vector_load %arg6[%get3A_160, %get3A_161] {strides = array<i32>} : memref<128x128xf32, #tpu.memory_space<vmem>>, vector<1x16xf32>,
            %get3A_163 = vector.shape_cast %get3A_162 : vector<1x16xf32> to vector<16xf32>
            %neg3A_164 = arith.constant 0.000000e+00 : f32
            %neg3A_165 = vector.broadcast %neg3A_164 : f32 to vector<16xf32>
            %neg3A_166 = arith.subf %neg3A_165, %get3A_163 : vector<16xf32>
            %exp3A_167 = math.exp %neg3A_166 : vector<16xf32>
            %add3A_168 = arith.constant 1.000000e+00 : f32
            %add3A_169 = vector.broadcast %add3A_168 : f32 to vector<16xf32>
            %add3A_170 = arith.addf %add3A_169, %exp3A_167 : vector<16xf32>
            %div3A_171 = arith.constant 1.000000e+00 : f32
            %div3A_172 = vector.broadcast %div3A_171 : f32 to vector<16xf32>
            %div3A_173 = arith.divf %div3A_172, %add3A_170 : vector<16xf32>
            %mul3A_174 = arith.constant 128 : i32
            %mul3A_175 = arith.muli %scan3A_118, %mul3A_174 : i32
            %add3A_176 = arith.constant 32 : i32
            %add3A_177 = arith.addi %mul3A_175, %add3A_176 : i32
            %swap3A_178 = arith.index_cast %add3A_177 : i32 to index
            %swap3A_179 = tpu.vector_load %arg8[%swap3A_178] {strides = array<i32>} : memref<16384xf32, #tpu.memory_space<vmem>>, vector<16xf32>,
            %swap3A_180 = vector.shape_cast %swap3A_179 : vector<16xf32> to vector<16xf32>
            %swap3A_181 = vector.shape_cast %div3A_173 : vector<16xf32> to vector<16xf32>
            tpu.vector_store %arg8[%swap3A_178], %swap3A_181 {strides = array<i32>} : memref<16384xf32, #tpu.memory_space<vmem>>, vector<16xf32>,
            %get3A_182 = arith.index_cast %scan3A_118 : i32 to index
            %get3A_183 = arith.constant 48 : index
            %get3A_184 = tpu.vector_load %arg6[%get3A_182, %get3A_183] {strides = array<i32>} : memref<128x128xf32, #tpu.memory_space<vmem>>, vector<1x16xf32>,
            %get3A_185 = vector.shape_cast %get3A_184 : vector<1x16xf32> to vector<16xf32>
            %neg3A_186 = arith.constant 0.000000e+00 : f32
            %neg3A_187 = vector.broadcast %neg3A_186 : f32 to vector<16xf32>
            %neg3A_188 = arith.subf %neg3A_187, %get3A_185 : vector<16xf32>
            %exp3A_189 = math.exp %neg3A_188 : vector<16xf32>
            %add3A_190 = arith.constant 1.000000e+00 : f32
            %add3A_191 = vector.broadcast %add3A_190 : f32 to vector<16xf32>
            %add3A_192 = arith.addf %add3A_191, %exp3A_189 : vector<16xf32>
            %div3A_193 = arith.constant 1.000000e+00 : f32
            %div3A_194 = vector.broadcast %div3A_193 : f32 to vector<16xf32>
            %div3A_195 = arith.divf %div3A_194, %add3A_192 : vector<16xf32>
            %mul3A_196 = arith.constant 128 : i32
            %mul3A_197 = arith.muli %scan3A_118, %mul3A_196 : i32
            %add3A_198 = arith.constant 48 : i32
            %add3A_199 = arith.addi %mul3A_197, %add3A_198 : i32
            %swap3A_200 = arith.index_cast %add3A_199 : i32 to index
            %swap3A_201 = tpu.vector_load %arg8[%swap3A_200] {strides = array<i32>} : memref<16384xf32, #tpu.memory_space<vmem>>, vector<16xf32>,
            %swap3A_202 = vector.shape_cast %swap3A_201 : vector<16xf32> to vector<16xf32>
            %swap3A_203 = vector.shape_cast %div3A_195 : vector<16xf32> to vector<16xf32>
            tpu.vector_store %arg8[%swap3A_200], %swap3A_203 {strides = array<i32>} : memref<16384xf32, #tpu.memory_space<vmem>>, vector<16xf32>,
            %get3A_204 = arith.index_cast %scan3A_118 : i32 to index
            %get3A_205 = arith.constant 64 : index
            %get3A_206 = tpu.vector_load %arg6[%get3A_204, %get3A_205] {strides = array<i32>} : memref<128x128xf32, #tpu.memory_space<vmem>>, vector<1x16xf32>,
            %get3A_207 = vector.shape_cast %get3A_206 : vector<1x16xf32> to vector<16xf32>
            %neg3A_208 = arith.constant 0.000000e+00 : f32
            %neg3A_209 = vector.broadcast %neg3A_208 : f32 to vector<16xf32>
            %neg3A_210 = arith.subf %neg3A_209, %get3A_207 : vector<16xf32>
            %exp3A_211 = math.exp %neg3A_210 : vector<16xf32>
            %add3A_212 = arith.constant 1.000000e+00 : f32
            %add3A_213 = vector.broadcast %add3A_212 : f32 to vector<16xf32>
            %add3A_214 = arith.addf %add3A_213, %exp3A_211 : vector<16xf32>
            %div3A_215 = arith.constant 1.000000e+00 : f32
            %div3A_216 = vector.broadcast %div3A_215 : f32 to vector<16xf32>
            %div3A_217 = arith.divf %div3A_216, %add3A_214 : vector<16xf32>
            %mul3A_218 = arith.constant 128 : i32
            %mul3A_219 = arith.muli %scan3A_118, %mul3A_218 : i32
            %add3A_220 = arith.constant 64 : i32
            %add3A_221 = arith.addi %mul3A_219, %add3A_220 : i32
            %swap3A_222 = arith.index_cast %add3A_221 : i32 to index
            %swap3A_223 = tpu.vector_load %arg8[%swap3A_222] {strides = array<i32>} : memref<16384xf32, #tpu.memory_space<vmem>>, vector<16xf32>,
            %swap3A_224 = vector.shape_cast %swap3A_223 : vector<16xf32> to vector<16xf32>
            %swap3A_225 = vector.shape_cast %div3A_217 : vector<16xf32> to vector<16xf32>
            tpu.vector_store %arg8[%swap3A_222], %swap3A_225 {strides = array<i32>} : memref<16384xf32, #tpu.memory_space<vmem>>, vector<16xf32>,
            %get3A_226 = arith.index_cast %scan3A_118 : i32 to index
            %get3A_227 = arith.constant 80 : index
            %get3A_228 = tpu.vector_load %arg6[%get3A_226, %get3A_227] {strides = array<i32>} : memref<128x128xf32, #tpu.memory_space<vmem>>, vector<1x16xf32>,
            %get3A_229 = vector.shape_cast %get3A_228 : vector<1x16xf32> to vector<16xf32>
            %neg3A_230 = arith.constant 0.000000e+00 : f32
            %neg3A_231 = vector.broadcast %neg3A_230 : f32 to vector<16xf32>
            %neg3A_232 = arith.subf %neg3A_231, %get3A_229 : vector<16xf32>
            %exp3A_233 = math.exp %neg3A_232 : vector<16xf32>
            %add3A_234 = arith.constant 1.000000e+00 : f32
            %add3A_235 = vector.broadcast %add3A_234 : f32 to vector<16xf32>
            %add3A_236 = arith.addf %add3A_235, %exp3A_233 : vector<16xf32>
            %div3A_237 = arith.constant 1.000000e+00 : f32
            %div3A_238 = vector.broadcast %div3A_237 : f32 to vector<16xf32>
            %div3A_239 = arith.divf %div3A_238, %add3A_236 : vector<16xf32>
            %mul3A_240 = arith.constant 128 : i32
            %mul3A_241 = arith.muli %scan3A_118, %mul3A_240 : i32
            %add3A_242 = arith.constant 80 : i32
            %add3A_243 = arith.addi %mul3A_241, %add3A_242 : i32
            %swap3A_244 = arith.index_cast %add3A_243 : i32 to index
            %swap3A_245 = tpu.vector_load %arg8[%swap3A_244] {strides = array<i32>} : memref<16384xf32, #tpu.memory_space<vmem>>, vector<16xf32>,
            %swap3A_246 = vector.shape_cast %swap3A_245 : vector<16xf32> to vector<16xf32>
            %swap3A_247 = vector.shape_cast %div3A_239 : vector<16xf32> to vector<16xf32>
            tpu.vector_store %arg8[%swap3A_244], %swap3A_247 {strides = array<i32>} : memref<16384xf32, #tpu.memory_space<vmem>>, vector<16xf32>,
            %get3A_248 = arith.index_cast %scan3A_118 : i32 to index
            %get3A_249 = arith.constant 96 : index
            %get3A_250 = tpu.vector_load %arg6[%get3A_248, %get3A_249] {strides = array<i32>} : memref<128x128xf32, #tpu.memory_space<vmem>>, vector<1x16xf32>,
            %get3A_251 = vector.shape_cast %get3A_250 : vector<1x16xf32> to vector<16xf32>
            %neg3A_252 = arith.constant 0.000000e+00 : f32
            %neg3A_253 = vector.broadcast %neg3A_252 : f32 to vector<16xf32>
            %neg3A_254 = arith.subf %neg3A_253, %get3A_251 : vector<16xf32>
            %exp3A_255 = math.exp %neg3A_254 : vector<16xf32>
            %add3A_256 = arith.constant 1.000000e+00 : f32
            %add3A_257 = vector.broadcast %add3A_256 : f32 to vector<16xf32>
            %add3A_258 = arith.addf %add3A_257, %exp3A_255 : vector<16xf32>
            %div3A_259 = arith.constant 1.000000e+00 : f32
            %div3A_260 = vector.broadcast %div3A_259 : f32 to vector<16xf32>
            %div3A_261 = arith.divf %div3A_260, %add3A_258 : vector<16xf32>
            %mul3A_262 = arith.constant 128 : i32
            %mul3A_263 = arith.muli %scan3A_118, %mul3A_262 : i32
            %add3A_264 = arith.constant 96 : i32
            %add3A_265 = arith.addi %mul3A_263, %add3A_264 : i32
            %swap3A_266 = arith.index_cast %add3A_265 : i32 to index
            %swap3A_267 = tpu.vector_load %arg8[%swap3A_266] {strides = array<i32>} : memref<16384xf32, #tpu.memory_space<vmem>>, vector<16xf32>,
            %swap3A_268 = vector.shape_cast %swap3A_267 : vector<16xf32> to vector<16xf32>
            %swap3A_269 = vector.shape_cast %div3A_261 : vector<16xf32> to vector<16xf32>
            tpu.vector_store %arg8[%swap3A_266], %swap3A_269 {strides = array<i32>} : memref<16384xf32, #tpu.memory_space<vmem>>, vector<16xf32>,
            %get3A_270 = arith.index_cast %scan3A_118 : i32 to index
            %get3A_271 = arith.constant 112 : index
            %get3A_272 = tpu.vector_load %arg6[%get3A_270, %get3A_271] {strides = array<i32>} : memref<128x128xf32, #tpu.memory_space<vmem>>, vector<1x16xf32>,
            %get3A_273 = vector.shape_cast %get3A_272 : vector<1x16xf32> to vector<16xf32>
            %neg3A_274 = arith.constant 0.000000e+00 : f32
            %neg3A_275 = vector.broadcast %neg3A_274 : f32 to vector<16xf32>
            %neg3A_276 = arith.subf %neg3A_275, %get3A_273 : vector<16xf32>
            %exp3A_277 = math.exp %neg3A_276 : vector<16xf32>
            %add3A_278 = arith.constant 1.000000e+00 : f32
            %add3A_279 = vector.broadcast %add3A_278 : f32 to vector<16xf32>
            %add3A_280 = arith.addf %add3A_279, %exp3A_277 : vector<16xf32>
            %div3A_281 = arith.constant 1.000000e+00 : f32
            %div3A_282 = vector.broadcast %div3A_281 : f32 to vector<16xf32>
            %div3A_283 = arith.divf %div3A_282, %add3A_280 : vector<16xf32>
            %mul3A_284 = arith.constant 128 : i32
            %mul3A_285 = arith.muli %scan3A_118, %mul3A_284 : i32
            %add3A_286 = arith.constant 112 : i32
            %add3A_287 = arith.addi %mul3A_285, %add3A_286 : i32
            %swap3A_288 = arith.index_cast %add3A_287 : i32 to index
            %swap3A_289 = tpu.vector_load %arg8[%swap3A_288] {strides = array<i32>} : memref<16384xf32, #tpu.memory_space<vmem>>, vector<16xf32>,
            %swap3A_290 = vector.shape_cast %swap3A_289 : vector<16xf32> to vector<16xf32>
            %swap3A_291 = vector.shape_cast %div3A_283 : vector<16xf32> to vector<16xf32>
            tpu.vector_store %arg8[%swap3A_288], %swap3A_291 {strides = array<i32>} : memref<16384xf32, #tpu.memory_space<vmem>>, vector<16xf32>,
          }
          %scan3A_117 = arith.constant 128 : i32
        } else {
        }
        %lt3A_106 = arith.constant 4 : i32
        %lt3A_107 = arith.cmpi slt, %select_n3A_83, %lt3A_106 : i32
        %convert_element_type3A_108 = arith.extui %lt3A_107 : i1 to i32
        %cond3A_109 = arith.constant 0 : i32
        %cond3A_110 = arith.cmpi ne, %convert_element_type3A_108, %cond3A_109 : i32
        scf.if %cond3A_110 {
          %lt3A_113 = arith.constant 2 : i32
          %lt3A_114 = arith.cmpi slt, %select_n3A_83, %lt3A_113 : i32
          %add3A_115 = arith.constant 2 : i32
          %add3A_116 = arith.addi %select_n3A_43, %add3A_115 : i32
          %sub3A_117 = arith.constant 2 : i32
          %sub3A_118 = arith.subi %select_n3A_43, %sub3A_117 : i32
          %select_n3A_119 = arith.select %lt3A_114, %add3A_116, %sub3A_118 : i32
          "tpu.region"() ({
            %run_scoped3A = tpu.sem_alloc : memref<!tpu.dma_semaphore, #tpu.memory_space<semaphore_mem>>
            %dma_start3A = arith.constant 0 : i32
            %dma_start3A_144 = arith.constant 0 : i32
            %dma_start3A_145 = tpu.memref_slice %arg3[%select_n3A, %select_n3A_119, %dma_start3A, %dma_start3A_144] : memref<16x255x128x128xf32, #tpu.memory_space<hbm>> -> memref<1x1x128x128xf32, #tpu.memory_space<hbm>>
            %dma_start3A_146 = tpu.memref_squeeze %dma_start3A_145 : memref<1x1x128x128xf32, #tpu.memory_space<hbm>> -> memref<128x128xf32, #tpu.memory_space<hbm>>
            %dma_start3A_147 = arith.constant 0 : i32
            %dma_start3A_148 = arith.constant 0 : i32
            %dma_start3A_149 = tpu.memref_slice %arg3[%select_n3A, %select_n3A_119, %dma_start3A_147, %dma_start3A_148] : memref<16x255x128x128xf32, #tpu.memory_space<hbm>> -> memref<1x1x128x128xf32, #tpu.memory_space<hbm>>
            %dma_start3A_150 = tpu.memref_squeeze %dma_start3A_149 : memref<1x1x128x128xf32, #tpu.memory_space<hbm>> -> memref<128x128xf32, #tpu.memory_space<hbm>>
            tpu.enqueue_dma source(%dma_start3A_150 : memref<128x128xf32, #tpu.memory_space<hbm>>) target(%arg7 : memref<128x128xf32, #tpu.memory_space<vmem>>) target_semaphore(%run_scoped3A : memref<!tpu.dma_semaphore, #tpu.memory_space<semaphore_mem>>)
            %dma_wait3A = arith.constant 0 : i32
            %dma_wait3A_151 = arith.constant 0 : i32
            %dma_wait3A_152 = tpu.memref_slice %arg3[%select_n3A, %select_n3A_119, %dma_wait3A, %dma_wait3A_151] : memref<16x255x128x128xf32, #tpu.memory_space<hbm>> -> memref<1x1x128x128xf32, #tpu.memory_space<hbm>>
            %dma_wait3A_153 = tpu.memref_squeeze %dma_wait3A_152 : memref<1x1x128x128xf32, #tpu.memory_space<hbm>> -> memref<128x128xf32, #tpu.memory_space<hbm>>
            %dma_wait3A_154 = arith.constant 0 : i32
            %dma_wait3A_155 = arith.constant 0 : i32
            %dma_wait3A_156 = tpu.memref_slice %arg3[%select_n3A, %select_n3A_119, %dma_wait3A_154, %dma_wait3A_155] : memref<16x255x128x128xf32, #tpu.memory_space<hbm>> -> memref<1x1x128x128xf32, #tpu.memory_space<hbm>>
            %dma_wait3A_157 = tpu.memref_squeeze %dma_wait3A_156 : memref<1x1x128x128xf32, #tpu.memory_space<hbm>> -> memref<128x128xf32, #tpu.memory_space<hbm>>
            tpu.wait_dma2 semaphore(%run_scoped3A : memref<!tpu.dma_semaphore, #tpu.memory_space<semaphore_mem>>) src(%dma_wait3A_157 : memref<128x128xf32, #tpu.memory_space<hbm>>) dst(%arg7 : memref<128x128xf32, #tpu.memory_space<vmem>>)
            tpu.yield
          }) : () -> ()
          %jit3A_120 = arith.constant 2 : i32
          %eq3A_121 = arith.constant 0 : i32
          %eq3A_122 = arith.cmpi eq, %jit3A_120, %eq3A_121 : i32
          %jit3A_123 = arith.constant 1 : i32
          %select_n3A_124 = arith.select %eq3A_122, %jit3A_123, %jit3A_120 : i32
          %rem3A_125 = arith.remsi %select_n3A_83, %select_n3A_124 : i32
          %ne3A_126 = arith.constant 0 : i32
          %ne3A_127 = arith.cmpi ne, %rem3A_125, %ne3A_126 : i32
          %lt3A_128 = arith.constant 0 : i32
          %lt3A_129 = arith.cmpi slt, %rem3A_125, %lt3A_128 : i32
          %lt3A_130 = arith.constant 0 : i32
          %lt3A_131 = arith.cmpi slt, %select_n3A_124, %lt3A_130 : i32
          %ne3A_132 = arith.xori %lt3A_129, %lt3A_131 : i1
          %and3A_133 = arith.andi %ne3A_132, %ne3A_127 : i1
          %add3A_134 = arith.addi %rem3A_125, %select_n3A_124 : i32
          %select_n3A_135 = arith.select %and3A_133, %add3A_134, %rem3A_125 : i32
          %eq3A_136 = arith.constant 0 : i32
          %eq3A_137 = arith.cmpi eq, %select_n3A_135, %eq3A_136 : i32
          %select_n3A_138 = arith.select %eq3A_137, %select_n3A_92, %select_n3A_101 : f32
          %scan3A_139 = arith.constant 0 : i32
          %scan3A_140 = arith.constant 128 : i32
          %scan3A_141 = arith.addi %scan3A_139, %scan3A_140 : i32
          %scan3A_142 = arith.constant 1 : i32
          scf.for %scan3A_144 = %scan3A_139 to %scan3A_141 step %scan3A_142  : i32 {
            %convert_element_type3A_145 = arith.sitofp %scan3A_144 : i32 to f32
            %get3A_146 = arith.index_cast %scan3A_144 : i32 to index
            %get3A_147 = arith.constant 0 : index
            %get3A_148 = tpu.vector_load %arg6[%get3A_146, %get3A_147] {strides = array<i32>} : memref<128x128xf32, #tpu.memory_space<vmem>>, vector<1x16xf32>,
            %get3A_149 = vector.shape_cast %get3A_148 : vector<1x16xf32> to vector<16xf32>
            %get3A_150 = arith.index_cast %scan3A_144 : i32 to index
            %get3A_151 = arith.constant 0 : index
            %get3A_152 = tpu.vector_load %arg7[%get3A_150, %get3A_151] {strides = array<i32>} : memref<128x128xf32, #tpu.memory_space<vmem>>, vector<1x16xf32>,
            %get3A_153 = vector.shape_cast %get3A_152 : vector<1x16xf32> to vector<16xf32>
            %exp3A = math.exp %get3A_149 : vector<16xf32>
            %mul3A_154 = vector.broadcast %select_n3A_138 : f32 to vector<16xf32>
            %mul3A_155 = arith.mulf %exp3A, %mul3A_154 : vector<16xf32>
            %max3A = arith.constant 0.000000e+00 : f32
            %max3A_156 = vector.broadcast %max3A : f32 to vector<16xf32>
            %max3A_157 = arith.maximumf %mul3A_155, %max3A_156 : vector<16xf32>
            %min3A = arith.minimumf %max3A_157, %get3A_2 : vector<16xf32>
            %exp3A_158 = math.exp %get3A_153 : vector<16xf32>
            %mul3A_159 = vector.broadcast %select_n3A_138 : f32 to vector<16xf32>
            %mul3A_160 = arith.mulf %exp3A_158, %mul3A_159 : vector<16xf32>
            %max3A_161 = arith.constant 0.000000e+00 : f32
            %max3A_162 = vector.broadcast %max3A_161 : f32 to vector<16xf32>
            %max3A_163 = arith.maximumf %mul3A_160, %max3A_162 : vector<16xf32>
            %min3A_164 = arith.minimumf %max3A_163, %get3A_2 : vector<16xf32>
            %iota3A = tpu.iota {dimensions = array<i32: 0>} : vector<16xi32>
            %add3A_165 = arith.constant 0 : i32
            %add3A_166 = vector.broadcast %add3A_165 : i32 to vector<16xi32>
            %add3A_167 = arith.addi %iota3A, %add3A_166 : vector<16xi32>
            %convert_element_type3A_168 = arith.sitofp %add3A_167 : vector<16xi32> to vector<16xf32>
            %add3A_169 = arith.constant 5.000000e-01 : f32
            %add3A_170 = vector.broadcast %add3A_169 : f32 to vector<16xf32>
            %add3A_171 = arith.addf %convert_element_type3A_168, %add3A_170 : vector<16xf32>
            %mul3A_172 = arith.constant 4.000000e+00 : f32
            %mul3A_173 = vector.broadcast %mul3A_172 : f32 to vector<16xf32>
            %mul3A_174 = arith.mulf %add3A_171, %mul3A_173 : vector<16xf32>
            %add3A_175 = arith.constant 5.000000e-01 : f32
            %add3A_176 = arith.addf %convert_element_type3A_145, %add3A_175 : f32
            %mul3A_177 = arith.constant 4.000000e+00 : f32
            %mul3A_178 = arith.mulf %add3A_176, %mul3A_177 : f32
            %eq3A_179 = arith.constant 0 : i32
            %eq3A_180 = arith.cmpi eq, %select_n3A_83, %eq3A_179 : i32
            %broadcast_in_dim3A = vector.broadcast %mul3A_178 : f32 to vector<16xf32>
            %select_n3A_181 = arith.select %eq3A_180, %mul3A_174, %broadcast_in_dim3A : vector<16xf32>
            %lt3A_182 = arith.constant 2 : i32
            %lt3A_183 = arith.cmpi slt, %select_n3A_83, %lt3A_182 : i32
            %sub3A_184 = arith.subf %min3A_164, %min3A : vector<16xf32>
            %mul3A_185 = arith.constant 5.000000e-01 : f32
            %mul3A_186 = vector.broadcast %mul3A_185 : f32 to vector<16xf32>
            %mul3A_187 = arith.mulf %sub3A_184, %mul3A_186 : vector<16xf32>
            %add3A_188 = arith.addf %select_n3A_181, %mul3A_187 : vector<16xf32>
            %add3A_189 = arith.addf %min3A, %min3A_164 : vector<16xf32>
            %select_n3A_190 = arith.select %lt3A_183, %add3A_188, %add3A_189 : vector<16xf32>
            %mul3A_191 = arith.constant 128 : i32
            %mul3A_192 = arith.muli %scan3A_144, %mul3A_191 : i32
            %add3A_193 = arith.constant 0 : i32
            %add3A_194 = arith.addi %mul3A_192, %add3A_193 : i32
            %swap3A = arith.index_cast %add3A_194 : i32 to index
            %swap3A_195 = tpu.vector_load %arg8[%swap3A] {strides = array<i32>} : memref<16384xf32, #tpu.memory_space<vmem>>, vector<16xf32>,
            %swap3A_196 = vector.shape_cast %swap3A_195 : vector<16xf32> to vector<16xf32>
            %swap3A_197 = vector.shape_cast %select_n3A_190 : vector<16xf32> to vector<16xf32>
            tpu.vector_store %arg8[%swap3A], %swap3A_197 {strides = array<i32>} : memref<16384xf32, #tpu.memory_space<vmem>>, vector<16xf32>,
            %get3A_198 = arith.index_cast %scan3A_144 : i32 to index
            %get3A_199 = arith.constant 16 : index
            %get3A_200 = tpu.vector_load %arg6[%get3A_198, %get3A_199] {strides = array<i32>} : memref<128x128xf32, #tpu.memory_space<vmem>>, vector<1x16xf32>,
            %get3A_201 = vector.shape_cast %get3A_200 : vector<1x16xf32> to vector<16xf32>
            %get3A_202 = arith.index_cast %scan3A_144 : i32 to index
            %get3A_203 = arith.constant 16 : index
            %get3A_204 = tpu.vector_load %arg7[%get3A_202, %get3A_203] {strides = array<i32>} : memref<128x128xf32, #tpu.memory_space<vmem>>, vector<1x16xf32>,
            %get3A_205 = vector.shape_cast %get3A_204 : vector<1x16xf32> to vector<16xf32>
            %exp3A_206 = math.exp %get3A_201 : vector<16xf32>
            %mul3A_207 = vector.broadcast %select_n3A_138 : f32 to vector<16xf32>
            %mul3A_208 = arith.mulf %exp3A_206, %mul3A_207 : vector<16xf32>
            %max3A_209 = arith.constant 0.000000e+00 : f32
            %max3A_210 = vector.broadcast %max3A_209 : f32 to vector<16xf32>
            %max3A_211 = arith.maximumf %mul3A_208, %max3A_210 : vector<16xf32>
            %min3A_212 = arith.minimumf %max3A_211, %get3A_2 : vector<16xf32>
            %exp3A_213 = math.exp %get3A_205 : vector<16xf32>
            %mul3A_214 = vector.broadcast %select_n3A_138 : f32 to vector<16xf32>
            %mul3A_215 = arith.mulf %exp3A_213, %mul3A_214 : vector<16xf32>
            %max3A_216 = arith.constant 0.000000e+00 : f32
            %max3A_217 = vector.broadcast %max3A_216 : f32 to vector<16xf32>
            %max3A_218 = arith.maximumf %mul3A_215, %max3A_217 : vector<16xf32>
            %min3A_219 = arith.minimumf %max3A_218, %get3A_2 : vector<16xf32>
            %iota3A_220 = tpu.iota {dimensions = array<i32: 0>} : vector<16xi32>
            %add3A_221 = arith.constant 16 : i32
            %add3A_222 = vector.broadcast %add3A_221 : i32 to vector<16xi32>
            %add3A_223 = arith.addi %iota3A_220, %add3A_222 : vector<16xi32>
            %convert_element_type3A_224 = arith.sitofp %add3A_223 : vector<16xi32> to vector<16xf32>
            %add3A_225 = arith.constant 5.000000e-01 : f32
            %add3A_226 = vector.broadcast %add3A_225 : f32 to vector<16xf32>
            %add3A_227 = arith.addf %convert_element_type3A_224, %add3A_226 : vector<16xf32>
            %mul3A_228 = arith.constant 4.000000e+00 : f32
            %mul3A_229 = vector.broadcast %mul3A_228 : f32 to vector<16xf32>
            %mul3A_230 = arith.mulf %add3A_227, %mul3A_229 : vector<16xf32>
            %add3A_231 = arith.constant 5.000000e-01 : f32
            %add3A_232 = arith.addf %convert_element_type3A_145, %add3A_231 : f32
            %mul3A_233 = arith.constant 4.000000e+00 : f32
            %mul3A_234 = arith.mulf %add3A_232, %mul3A_233 : f32
            %eq3A_235 = arith.constant 0 : i32
            %eq3A_236 = arith.cmpi eq, %select_n3A_83, %eq3A_235 : i32
            %broadcast_in_dim3A_237 = vector.broadcast %mul3A_234 : f32 to vector<16xf32>
            %select_n3A_238 = arith.select %eq3A_236, %mul3A_230, %broadcast_in_dim3A_237 : vector<16xf32>
            %lt3A_239 = arith.constant 2 : i32
            %lt3A_240 = arith.cmpi slt, %select_n3A_83, %lt3A_239 : i32
            %sub3A_241 = arith.subf %min3A_219, %min3A_212 : vector<16xf32>
            %mul3A_242 = arith.constant 5.000000e-01 : f32
            %mul3A_243 = vector.broadcast %mul3A_242 : f32 to vector<16xf32>
            %mul3A_244 = arith.mulf %sub3A_241, %mul3A_243 : vector<16xf32>
            %add3A_245 = arith.addf %select_n3A_238, %mul3A_244 : vector<16xf32>
            %add3A_246 = arith.addf %min3A_212, %min3A_219 : vector<16xf32>
            %select_n3A_247 = arith.select %lt3A_240, %add3A_245, %add3A_246 : vector<16xf32>
            %mul3A_248 = arith.constant 128 : i32
            %mul3A_249 = arith.muli %scan3A_144, %mul3A_248 : i32
            %add3A_250 = arith.constant 16 : i32
            %add3A_251 = arith.addi %mul3A_249, %add3A_250 : i32
            %swap3A_252 = arith.index_cast %add3A_251 : i32 to index
            %swap3A_253 = tpu.vector_load %arg8[%swap3A_252] {strides = array<i32>} : memref<16384xf32, #tpu.memory_space<vmem>>, vector<16xf32>,
            %swap3A_254 = vector.shape_cast %swap3A_253 : vector<16xf32> to vector<16xf32>
            %swap3A_255 = vector.shape_cast %select_n3A_247 : vector<16xf32> to vector<16xf32>
            tpu.vector_store %arg8[%swap3A_252], %swap3A_255 {strides = array<i32>} : memref<16384xf32, #tpu.memory_space<vmem>>, vector<16xf32>,
            %get3A_256 = arith.index_cast %scan3A_144 : i32 to index
            %get3A_257 = arith.constant 32 : index
            %get3A_258 = tpu.vector_load %arg6[%get3A_256, %get3A_257] {strides = array<i32>} : memref<128x128xf32, #tpu.memory_space<vmem>>, vector<1x16xf32>,
            %get3A_259 = vector.shape_cast %get3A_258 : vector<1x16xf32> to vector<16xf32>
            %get3A_260 = arith.index_cast %scan3A_144 : i32 to index
            %get3A_261 = arith.constant 32 : index
            %get3A_262 = tpu.vector_load %arg7[%get3A_260, %get3A_261] {strides = array<i32>} : memref<128x128xf32, #tpu.memory_space<vmem>>, vector<1x16xf32>,
            %get3A_263 = vector.shape_cast %get3A_262 : vector<1x16xf32> to vector<16xf32>
            %exp3A_264 = math.exp %get3A_259 : vector<16xf32>
            %mul3A_265 = vector.broadcast %select_n3A_138 : f32 to vector<16xf32>
            %mul3A_266 = arith.mulf %exp3A_264, %mul3A_265 : vector<16xf32>
            %max3A_267 = arith.constant 0.000000e+00 : f32
            %max3A_268 = vector.broadcast %max3A_267 : f32 to vector<16xf32>
            %max3A_269 = arith.maximumf %mul3A_266, %max3A_268 : vector<16xf32>
            %min3A_270 = arith.minimumf %max3A_269, %get3A_2 : vector<16xf32>
            %exp3A_271 = math.exp %get3A_263 : vector<16xf32>
            %mul3A_272 = vector.broadcast %select_n3A_138 : f32 to vector<16xf32>
            %mul3A_273 = arith.mulf %exp3A_271, %mul3A_272 : vector<16xf32>
            %max3A_274 = arith.constant 0.000000e+00 : f32
            %max3A_275 = vector.broadcast %max3A_274 : f32 to vector<16xf32>
            %max3A_276 = arith.maximumf %mul3A_273, %max3A_275 : vector<16xf32>
            %min3A_277 = arith.minimumf %max3A_276, %get3A_2 : vector<16xf32>
            %iota3A_278 = tpu.iota {dimensions = array<i32: 0>} : vector<16xi32>
            %add3A_279 = arith.constant 32 : i32
            %add3A_280 = vector.broadcast %add3A_279 : i32 to vector<16xi32>
            %add3A_281 = arith.addi %iota3A_278, %add3A_280 : vector<16xi32>
            %convert_element_type3A_282 = arith.sitofp %add3A_281 : vector<16xi32> to vector<16xf32>
            %add3A_283 = arith.constant 5.000000e-01 : f32
            %add3A_284 = vector.broadcast %add3A_283 : f32 to vector<16xf32>
            %add3A_285 = arith.addf %convert_element_type3A_282, %add3A_284 : vector<16xf32>
            %mul3A_286 = arith.constant 4.000000e+00 : f32
            %mul3A_287 = vector.broadcast %mul3A_286 : f32 to vector<16xf32>
            %mul3A_288 = arith.mulf %add3A_285, %mul3A_287 : vector<16xf32>
            %add3A_289 = arith.constant 5.000000e-01 : f32
            %add3A_290 = arith.addf %convert_element_type3A_145, %add3A_289 : f32
            %mul3A_291 = arith.constant 4.000000e+00 : f32
            %mul3A_292 = arith.mulf %add3A_290, %mul3A_291 : f32
            %eq3A_293 = arith.constant 0 : i32
            %eq3A_294 = arith.cmpi eq, %select_n3A_83, %eq3A_293 : i32
            %broadcast_in_dim3A_295 = vector.broadcast %mul3A_292 : f32 to vector<16xf32>
            %select_n3A_296 = arith.select %eq3A_294, %mul3A_288, %broadcast_in_dim3A_295 : vector<16xf32>
            %lt3A_297 = arith.constant 2 : i32
            %lt3A_298 = arith.cmpi slt, %select_n3A_83, %lt3A_297 : i32
            %sub3A_299 = arith.subf %min3A_277, %min3A_270 : vector<16xf32>
            %mul3A_300 = arith.constant 5.000000e-01 : f32
            %mul3A_301 = vector.broadcast %mul3A_300 : f32 to vector<16xf32>
            %mul3A_302 = arith.mulf %sub3A_299, %mul3A_301 : vector<16xf32>
            %add3A_303 = arith.addf %select_n3A_296, %mul3A_302 : vector<16xf32>
            %add3A_304 = arith.addf %min3A_270, %min3A_277 : vector<16xf32>
            %select_n3A_305 = arith.select %lt3A_298, %add3A_303, %add3A_304 : vector<16xf32>
            %mul3A_306 = arith.constant 128 : i32
            %mul3A_307 = arith.muli %scan3A_144, %mul3A_306 : i32
            %add3A_308 = arith.constant 32 : i32
            %add3A_309 = arith.addi %mul3A_307, %add3A_308 : i32
            %swap3A_310 = arith.index_cast %add3A_309 : i32 to index
            %swap3A_311 = tpu.vector_load %arg8[%swap3A_310] {strides = array<i32>} : memref<16384xf32, #tpu.memory_space<vmem>>, vector<16xf32>,
            %swap3A_312 = vector.shape_cast %swap3A_311 : vector<16xf32> to vector<16xf32>
            %swap3A_313 = vector.shape_cast %select_n3A_305 : vector<16xf32> to vector<16xf32>
            tpu.vector_store %arg8[%swap3A_310], %swap3A_313 {strides = array<i32>} : memref<16384xf32, #tpu.memory_space<vmem>>, vector<16xf32>,
            %get3A_314 = arith.index_cast %scan3A_144 : i32 to index
            %get3A_315 = arith.constant 48 : index
            %get3A_316 = tpu.vector_load %arg6[%get3A_314, %get3A_315] {strides = array<i32>} : memref<128x128xf32, #tpu.memory_space<vmem>>, vector<1x16xf32>,
            %get3A_317 = vector.shape_cast %get3A_316 : vector<1x16xf32> to vector<16xf32>
            %get3A_318 = arith.index_cast %scan3A_144 : i32 to index
            %get3A_319 = arith.constant 48 : index
            %get3A_320 = tpu.vector_load %arg7[%get3A_318, %get3A_319] {strides = array<i32>} : memref<128x128xf32, #tpu.memory_space<vmem>>, vector<1x16xf32>,
            %get3A_321 = vector.shape_cast %get3A_320 : vector<1x16xf32> to vector<16xf32>
            %exp3A_322 = math.exp %get3A_317 : vector<16xf32>
            %mul3A_323 = vector.broadcast %select_n3A_138 : f32 to vector<16xf32>
            %mul3A_324 = arith.mulf %exp3A_322, %mul3A_323 : vector<16xf32>
            %max3A_325 = arith.constant 0.000000e+00 : f32
            %max3A_326 = vector.broadcast %max3A_325 : f32 to vector<16xf32>
            %max3A_327 = arith.maximumf %mul3A_324, %max3A_326 : vector<16xf32>
            %min3A_328 = arith.minimumf %max3A_327, %get3A_2 : vector<16xf32>
            %exp3A_329 = math.exp %get3A_321 : vector<16xf32>
            %mul3A_330 = vector.broadcast %select_n3A_138 : f32 to vector<16xf32>
            %mul3A_331 = arith.mulf %exp3A_329, %mul3A_330 : vector<16xf32>
            %max3A_332 = arith.constant 0.000000e+00 : f32
            %max3A_333 = vector.broadcast %max3A_332 : f32 to vector<16xf32>
            %max3A_334 = arith.maximumf %mul3A_331, %max3A_333 : vector<16xf32>
            %min3A_335 = arith.minimumf %max3A_334, %get3A_2 : vector<16xf32>
            %iota3A_336 = tpu.iota {dimensions = array<i32: 0>} : vector<16xi32>
            %add3A_337 = arith.constant 48 : i32
            %add3A_338 = vector.broadcast %add3A_337 : i32 to vector<16xi32>
            %add3A_339 = arith.addi %iota3A_336, %add3A_338 : vector<16xi32>
            %convert_element_type3A_340 = arith.sitofp %add3A_339 : vector<16xi32> to vector<16xf32>
            %add3A_341 = arith.constant 5.000000e-01 : f32
            %add3A_342 = vector.broadcast %add3A_341 : f32 to vector<16xf32>
            %add3A_343 = arith.addf %convert_element_type3A_340, %add3A_342 : vector<16xf32>
            %mul3A_344 = arith.constant 4.000000e+00 : f32
            %mul3A_345 = vector.broadcast %mul3A_344 : f32 to vector<16xf32>
            %mul3A_346 = arith.mulf %add3A_343, %mul3A_345 : vector<16xf32>
            %add3A_347 = arith.constant 5.000000e-01 : f32
            %add3A_348 = arith.addf %convert_element_type3A_145, %add3A_347 : f32
            %mul3A_349 = arith.constant 4.000000e+00 : f32
            %mul3A_350 = arith.mulf %add3A_348, %mul3A_349 : f32
            %eq3A_351 = arith.constant 0 : i32
            %eq3A_352 = arith.cmpi eq, %select_n3A_83, %eq3A_351 : i32
            %broadcast_in_dim3A_353 = vector.broadcast %mul3A_350 : f32 to vector<16xf32>
            %select_n3A_354 = arith.select %eq3A_352, %mul3A_346, %broadcast_in_dim3A_353 : vector<16xf32>
            %lt3A_355 = arith.constant 2 : i32
            %lt3A_356 = arith.cmpi slt, %select_n3A_83, %lt3A_355 : i32
            %sub3A_357 = arith.subf %min3A_335, %min3A_328 : vector<16xf32>
            %mul3A_358 = arith.constant 5.000000e-01 : f32
            %mul3A_359 = vector.broadcast %mul3A_358 : f32 to vector<16xf32>
            %mul3A_360 = arith.mulf %sub3A_357, %mul3A_359 : vector<16xf32>
            %add3A_361 = arith.addf %select_n3A_354, %mul3A_360 : vector<16xf32>
            %add3A_362 = arith.addf %min3A_328, %min3A_335 : vector<16xf32>
            %select_n3A_363 = arith.select %lt3A_356, %add3A_361, %add3A_362 : vector<16xf32>
            %mul3A_364 = arith.constant 128 : i32
            %mul3A_365 = arith.muli %scan3A_144, %mul3A_364 : i32
            %add3A_366 = arith.constant 48 : i32
            %add3A_367 = arith.addi %mul3A_365, %add3A_366 : i32
            %swap3A_368 = arith.index_cast %add3A_367 : i32 to index
            %swap3A_369 = tpu.vector_load %arg8[%swap3A_368] {strides = array<i32>} : memref<16384xf32, #tpu.memory_space<vmem>>, vector<16xf32>,
            %swap3A_370 = vector.shape_cast %swap3A_369 : vector<16xf32> to vector<16xf32>
            %swap3A_371 = vector.shape_cast %select_n3A_363 : vector<16xf32> to vector<16xf32>
            tpu.vector_store %arg8[%swap3A_368], %swap3A_371 {strides = array<i32>} : memref<16384xf32, #tpu.memory_space<vmem>>, vector<16xf32>,
            %get3A_372 = arith.index_cast %scan3A_144 : i32 to index
            %get3A_373 = arith.constant 64 : index
            %get3A_374 = tpu.vector_load %arg6[%get3A_372, %get3A_373] {strides = array<i32>} : memref<128x128xf32, #tpu.memory_space<vmem>>, vector<1x16xf32>,
            %get3A_375 = vector.shape_cast %get3A_374 : vector<1x16xf32> to vector<16xf32>
            %get3A_376 = arith.index_cast %scan3A_144 : i32 to index
            %get3A_377 = arith.constant 64 : index
            %get3A_378 = tpu.vector_load %arg7[%get3A_376, %get3A_377] {strides = array<i32>} : memref<128x128xf32, #tpu.memory_space<vmem>>, vector<1x16xf32>,
            %get3A_379 = vector.shape_cast %get3A_378 : vector<1x16xf32> to vector<16xf32>
            %exp3A_380 = math.exp %get3A_375 : vector<16xf32>
            %mul3A_381 = vector.broadcast %select_n3A_138 : f32 to vector<16xf32>
            %mul3A_382 = arith.mulf %exp3A_380, %mul3A_381 : vector<16xf32>
            %max3A_383 = arith.constant 0.000000e+00 : f32
            %max3A_384 = vector.broadcast %max3A_383 : f32 to vector<16xf32>
            %max3A_385 = arith.maximumf %mul3A_382, %max3A_384 : vector<16xf32>
            %min3A_386 = arith.minimumf %max3A_385, %get3A_2 : vector<16xf32>
            %exp3A_387 = math.exp %get3A_379 : vector<16xf32>
            %mul3A_388 = vector.broadcast %select_n3A_138 : f32 to vector<16xf32>
            %mul3A_389 = arith.mulf %exp3A_387, %mul3A_388 : vector<16xf32>
            %max3A_390 = arith.constant 0.000000e+00 : f32
            %max3A_391 = vector.broadcast %max3A_390 : f32 to vector<16xf32>
            %max3A_392 = arith.maximumf %mul3A_389, %max3A_391 : vector<16xf32>
            %min3A_393 = arith.minimumf %max3A_392, %get3A_2 : vector<16xf32>
            %iota3A_394 = tpu.iota {dimensions = array<i32: 0>} : vector<16xi32>
            %add3A_395 = arith.constant 64 : i32
            %add3A_396 = vector.broadcast %add3A_395 : i32 to vector<16xi32>
            %add3A_397 = arith.addi %iota3A_394, %add3A_396 : vector<16xi32>
            %convert_element_type3A_398 = arith.sitofp %add3A_397 : vector<16xi32> to vector<16xf32>
            %add3A_399 = arith.constant 5.000000e-01 : f32
            %add3A_400 = vector.broadcast %add3A_399 : f32 to vector<16xf32>
            %add3A_401 = arith.addf %convert_element_type3A_398, %add3A_400 : vector<16xf32>
            %mul3A_402 = arith.constant 4.000000e+00 : f32
            %mul3A_403 = vector.broadcast %mul3A_402 : f32 to vector<16xf32>
            %mul3A_404 = arith.mulf %add3A_401, %mul3A_403 : vector<16xf32>
            %add3A_405 = arith.constant 5.000000e-01 : f32
            %add3A_406 = arith.addf %convert_element_type3A_145, %add3A_405 : f32
            %mul3A_407 = arith.constant 4.000000e+00 : f32
            %mul3A_408 = arith.mulf %add3A_406, %mul3A_407 : f32
            %eq3A_409 = arith.constant 0 : i32
            %eq3A_410 = arith.cmpi eq, %select_n3A_83, %eq3A_409 : i32
            %broadcast_in_dim3A_411 = vector.broadcast %mul3A_408 : f32 to vector<16xf32>
            %select_n3A_412 = arith.select %eq3A_410, %mul3A_404, %broadcast_in_dim3A_411 : vector<16xf32>
            %lt3A_413 = arith.constant 2 : i32
            %lt3A_414 = arith.cmpi slt, %select_n3A_83, %lt3A_413 : i32
            %sub3A_415 = arith.subf %min3A_393, %min3A_386 : vector<16xf32>
            %mul3A_416 = arith.constant 5.000000e-01 : f32
            %mul3A_417 = vector.broadcast %mul3A_416 : f32 to vector<16xf32>
            %mul3A_418 = arith.mulf %sub3A_415, %mul3A_417 : vector<16xf32>
            %add3A_419 = arith.addf %select_n3A_412, %mul3A_418 : vector<16xf32>
            %add3A_420 = arith.addf %min3A_386, %min3A_393 : vector<16xf32>
            %select_n3A_421 = arith.select %lt3A_414, %add3A_419, %add3A_420 : vector<16xf32>
            %mul3A_422 = arith.constant 128 : i32
            %mul3A_423 = arith.muli %scan3A_144, %mul3A_422 : i32
            %add3A_424 = arith.constant 64 : i32
            %add3A_425 = arith.addi %mul3A_423, %add3A_424 : i32
            %swap3A_426 = arith.index_cast %add3A_425 : i32 to index
            %swap3A_427 = tpu.vector_load %arg8[%swap3A_426] {strides = array<i32>} : memref<16384xf32, #tpu.memory_space<vmem>>, vector<16xf32>,
            %swap3A_428 = vector.shape_cast %swap3A_427 : vector<16xf32> to vector<16xf32>
            %swap3A_429 = vector.shape_cast %select_n3A_421 : vector<16xf32> to vector<16xf32>
            tpu.vector_store %arg8[%swap3A_426], %swap3A_429 {strides = array<i32>} : memref<16384xf32, #tpu.memory_space<vmem>>, vector<16xf32>,
            %get3A_430 = arith.index_cast %scan3A_144 : i32 to index
            %get3A_431 = arith.constant 80 : index
            %get3A_432 = tpu.vector_load %arg6[%get3A_430, %get3A_431] {strides = array<i32>} : memref<128x128xf32, #tpu.memory_space<vmem>>, vector<1x16xf32>,
            %get3A_433 = vector.shape_cast %get3A_432 : vector<1x16xf32> to vector<16xf32>
            %get3A_434 = arith.index_cast %scan3A_144 : i32 to index
            %get3A_435 = arith.constant 80 : index
            %get3A_436 = tpu.vector_load %arg7[%get3A_434, %get3A_435] {strides = array<i32>} : memref<128x128xf32, #tpu.memory_space<vmem>>, vector<1x16xf32>,
            %get3A_437 = vector.shape_cast %get3A_436 : vector<1x16xf32> to vector<16xf32>
            %exp3A_438 = math.exp %get3A_433 : vector<16xf32>
            %mul3A_439 = vector.broadcast %select_n3A_138 : f32 to vector<16xf32>
            %mul3A_440 = arith.mulf %exp3A_438, %mul3A_439 : vector<16xf32>
            %max3A_441 = arith.constant 0.000000e+00 : f32
            %max3A_442 = vector.broadcast %max3A_441 : f32 to vector<16xf32>
            %max3A_443 = arith.maximumf %mul3A_440, %max3A_442 : vector<16xf32>
            %min3A_444 = arith.minimumf %max3A_443, %get3A_2 : vector<16xf32>
            %exp3A_445 = math.exp %get3A_437 : vector<16xf32>
            %mul3A_446 = vector.broadcast %select_n3A_138 : f32 to vector<16xf32>
            %mul3A_447 = arith.mulf %exp3A_445, %mul3A_446 : vector<16xf32>
            %max3A_448 = arith.constant 0.000000e+00 : f32
            %max3A_449 = vector.broadcast %max3A_448 : f32 to vector<16xf32>
            %max3A_450 = arith.maximumf %mul3A_447, %max3A_449 : vector<16xf32>
            %min3A_451 = arith.minimumf %max3A_450, %get3A_2 : vector<16xf32>
            %iota3A_452 = tpu.iota {dimensions = array<i32: 0>} : vector<16xi32>
            %add3A_453 = arith.constant 80 : i32
            %add3A_454 = vector.broadcast %add3A_453 : i32 to vector<16xi32>
            %add3A_455 = arith.addi %iota3A_452, %add3A_454 : vector<16xi32>
            %convert_element_type3A_456 = arith.sitofp %add3A_455 : vector<16xi32> to vector<16xf32>
            %add3A_457 = arith.constant 5.000000e-01 : f32
            %add3A_458 = vector.broadcast %add3A_457 : f32 to vector<16xf32>
            %add3A_459 = arith.addf %convert_element_type3A_456, %add3A_458 : vector<16xf32>
            %mul3A_460 = arith.constant 4.000000e+00 : f32
            %mul3A_461 = vector.broadcast %mul3A_460 : f32 to vector<16xf32>
            %mul3A_462 = arith.mulf %add3A_459, %mul3A_461 : vector<16xf32>
            %add3A_463 = arith.constant 5.000000e-01 : f32
            %add3A_464 = arith.addf %convert_element_type3A_145, %add3A_463 : f32
            %mul3A_465 = arith.constant 4.000000e+00 : f32
            %mul3A_466 = arith.mulf %add3A_464, %mul3A_465 : f32
            %eq3A_467 = arith.constant 0 : i32
            %eq3A_468 = arith.cmpi eq, %select_n3A_83, %eq3A_467 : i32
            %broadcast_in_dim3A_469 = vector.broadcast %mul3A_466 : f32 to vector<16xf32>
            %select_n3A_470 = arith.select %eq3A_468, %mul3A_462, %broadcast_in_dim3A_469 : vector<16xf32>
            %lt3A_471 = arith.constant 2 : i32
            %lt3A_472 = arith.cmpi slt, %select_n3A_83, %lt3A_471 : i32
            %sub3A_473 = arith.subf %min3A_451, %min3A_444 : vector<16xf32>
            %mul3A_474 = arith.constant 5.000000e-01 : f32
            %mul3A_475 = vector.broadcast %mul3A_474 : f32 to vector<16xf32>
            %mul3A_476 = arith.mulf %sub3A_473, %mul3A_475 : vector<16xf32>
            %add3A_477 = arith.addf %select_n3A_470, %mul3A_476 : vector<16xf32>
            %add3A_478 = arith.addf %min3A_444, %min3A_451 : vector<16xf32>
            %select_n3A_479 = arith.select %lt3A_472, %add3A_477, %add3A_478 : vector<16xf32>
            %mul3A_480 = arith.constant 128 : i32
            %mul3A_481 = arith.muli %scan3A_144, %mul3A_480 : i32
            %add3A_482 = arith.constant 80 : i32
            %add3A_483 = arith.addi %mul3A_481, %add3A_482 : i32
            %swap3A_484 = arith.index_cast %add3A_483 : i32 to index
            %swap3A_485 = tpu.vector_load %arg8[%swap3A_484] {strides = array<i32>} : memref<16384xf32, #tpu.memory_space<vmem>>, vector<16xf32>,
            %swap3A_486 = vector.shape_cast %swap3A_485 : vector<16xf32> to vector<16xf32>
            %swap3A_487 = vector.shape_cast %select_n3A_479 : vector<16xf32> to vector<16xf32>
            tpu.vector_store %arg8[%swap3A_484], %swap3A_487 {strides = array<i32>} : memref<16384xf32, #tpu.memory_space<vmem>>, vector<16xf32>,
            %get3A_488 = arith.index_cast %scan3A_144 : i32 to index
            %get3A_489 = arith.constant 96 : index
            %get3A_490 = tpu.vector_load %arg6[%get3A_488, %get3A_489] {strides = array<i32>} : memref<128x128xf32, #tpu.memory_space<vmem>>, vector<1x16xf32>,
            %get3A_491 = vector.shape_cast %get3A_490 : vector<1x16xf32> to vector<16xf32>
            %get3A_492 = arith.index_cast %scan3A_144 : i32 to index
            %get3A_493 = arith.constant 96 : index
            %get3A_494 = tpu.vector_load %arg7[%get3A_492, %get3A_493] {strides = array<i32>} : memref<128x128xf32, #tpu.memory_space<vmem>>, vector<1x16xf32>,
            %get3A_495 = vector.shape_cast %get3A_494 : vector<1x16xf32> to vector<16xf32>
            %exp3A_496 = math.exp %get3A_491 : vector<16xf32>
            %mul3A_497 = vector.broadcast %select_n3A_138 : f32 to vector<16xf32>
            %mul3A_498 = arith.mulf %exp3A_496, %mul3A_497 : vector<16xf32>
            %max3A_499 = arith.constant 0.000000e+00 : f32
            %max3A_500 = vector.broadcast %max3A_499 : f32 to vector<16xf32>
            %max3A_501 = arith.maximumf %mul3A_498, %max3A_500 : vector<16xf32>
            %min3A_502 = arith.minimumf %max3A_501, %get3A_2 : vector<16xf32>
            %exp3A_503 = math.exp %get3A_495 : vector<16xf32>
            %mul3A_504 = vector.broadcast %select_n3A_138 : f32 to vector<16xf32>
            %mul3A_505 = arith.mulf %exp3A_503, %mul3A_504 : vector<16xf32>
            %max3A_506 = arith.constant 0.000000e+00 : f32
            %max3A_507 = vector.broadcast %max3A_506 : f32 to vector<16xf32>
            %max3A_508 = arith.maximumf %mul3A_505, %max3A_507 : vector<16xf32>
            %min3A_509 = arith.minimumf %max3A_508, %get3A_2 : vector<16xf32>
            %iota3A_510 = tpu.iota {dimensions = array<i32: 0>} : vector<16xi32>
            %add3A_511 = arith.constant 96 : i32
            %add3A_512 = vector.broadcast %add3A_511 : i32 to vector<16xi32>
            %add3A_513 = arith.addi %iota3A_510, %add3A_512 : vector<16xi32>
            %convert_element_type3A_514 = arith.sitofp %add3A_513 : vector<16xi32> to vector<16xf32>
            %add3A_515 = arith.constant 5.000000e-01 : f32
            %add3A_516 = vector.broadcast %add3A_515 : f32 to vector<16xf32>
            %add3A_517 = arith.addf %convert_element_type3A_514, %add3A_516 : vector<16xf32>
            %mul3A_518 = arith.constant 4.000000e+00 : f32
            %mul3A_519 = vector.broadcast %mul3A_518 : f32 to vector<16xf32>
            %mul3A_520 = arith.mulf %add3A_517, %mul3A_519 : vector<16xf32>
            %add3A_521 = arith.constant 5.000000e-01 : f32
            %add3A_522 = arith.addf %convert_element_type3A_145, %add3A_521 : f32
            %mul3A_523 = arith.constant 4.000000e+00 : f32
            %mul3A_524 = arith.mulf %add3A_522, %mul3A_523 : f32
            %eq3A_525 = arith.constant 0 : i32
            %eq3A_526 = arith.cmpi eq, %select_n3A_83, %eq3A_525 : i32
            %broadcast_in_dim3A_527 = vector.broadcast %mul3A_524 : f32 to vector<16xf32>
            %select_n3A_528 = arith.select %eq3A_526, %mul3A_520, %broadcast_in_dim3A_527 : vector<16xf32>
            %lt3A_529 = arith.constant 2 : i32
            %lt3A_530 = arith.cmpi slt, %select_n3A_83, %lt3A_529 : i32
            %sub3A_531 = arith.subf %min3A_509, %min3A_502 : vector<16xf32>
            %mul3A_532 = arith.constant 5.000000e-01 : f32
            %mul3A_533 = vector.broadcast %mul3A_532 : f32 to vector<16xf32>
            %mul3A_534 = arith.mulf %sub3A_531, %mul3A_533 : vector<16xf32>
            %add3A_535 = arith.addf %select_n3A_528, %mul3A_534 : vector<16xf32>
            %add3A_536 = arith.addf %min3A_502, %min3A_509 : vector<16xf32>
            %select_n3A_537 = arith.select %lt3A_530, %add3A_535, %add3A_536 : vector<16xf32>
            %mul3A_538 = arith.constant 128 : i32
            %mul3A_539 = arith.muli %scan3A_144, %mul3A_538 : i32
            %add3A_540 = arith.constant 96 : i32
            %add3A_541 = arith.addi %mul3A_539, %add3A_540 : i32
            %swap3A_542 = arith.index_cast %add3A_541 : i32 to index
            %swap3A_543 = tpu.vector_load %arg8[%swap3A_542] {strides = array<i32>} : memref<16384xf32, #tpu.memory_space<vmem>>, vector<16xf32>,
            %swap3A_544 = vector.shape_cast %swap3A_543 : vector<16xf32> to vector<16xf32>
            %swap3A_545 = vector.shape_cast %select_n3A_537 : vector<16xf32> to vector<16xf32>
            tpu.vector_store %arg8[%swap3A_542], %swap3A_545 {strides = array<i32>} : memref<16384xf32, #tpu.memory_space<vmem>>, vector<16xf32>,
            %get3A_546 = arith.index_cast %scan3A_144 : i32 to index
            %get3A_547 = arith.constant 112 : index
            %get3A_548 = tpu.vector_load %arg6[%get3A_546, %get3A_547] {strides = array<i32>} : memref<128x128xf32, #tpu.memory_space<vmem>>, vector<1x16xf32>,
            %get3A_549 = vector.shape_cast %get3A_548 : vector<1x16xf32> to vector<16xf32>
            %get3A_550 = arith.index_cast %scan3A_144 : i32 to index
            %get3A_551 = arith.constant 112 : index
            %get3A_552 = tpu.vector_load %arg7[%get3A_550, %get3A_551] {strides = array<i32>} : memref<128x128xf32, #tpu.memory_space<vmem>>, vector<1x16xf32>,
            %get3A_553 = vector.shape_cast %get3A_552 : vector<1x16xf32> to vector<16xf32>
            %exp3A_554 = math.exp %get3A_549 : vector<16xf32>
            %mul3A_555 = vector.broadcast %select_n3A_138 : f32 to vector<16xf32>
            %mul3A_556 = arith.mulf %exp3A_554, %mul3A_555 : vector<16xf32>
            %max3A_557 = arith.constant 0.000000e+00 : f32
            %max3A_558 = vector.broadcast %max3A_557 : f32 to vector<16xf32>
            %max3A_559 = arith.maximumf %mul3A_556, %max3A_558 : vector<16xf32>
            %min3A_560 = arith.minimumf %max3A_559, %get3A_2 : vector<16xf32>
            %exp3A_561 = math.exp %get3A_553 : vector<16xf32>
            %mul3A_562 = vector.broadcast %select_n3A_138 : f32 to vector<16xf32>
            %mul3A_563 = arith.mulf %exp3A_561, %mul3A_562 : vector<16xf32>
            %max3A_564 = arith.constant 0.000000e+00 : f32
            %max3A_565 = vector.broadcast %max3A_564 : f32 to vector<16xf32>
            %max3A_566 = arith.maximumf %mul3A_563, %max3A_565 : vector<16xf32>
            %min3A_567 = arith.minimumf %max3A_566, %get3A_2 : vector<16xf32>
            %iota3A_568 = tpu.iota {dimensions = array<i32: 0>} : vector<16xi32>
            %add3A_569 = arith.constant 112 : i32
            %add3A_570 = vector.broadcast %add3A_569 : i32 to vector<16xi32>
            %add3A_571 = arith.addi %iota3A_568, %add3A_570 : vector<16xi32>
            %convert_element_type3A_572 = arith.sitofp %add3A_571 : vector<16xi32> to vector<16xf32>
            %add3A_573 = arith.constant 5.000000e-01 : f32
            %add3A_574 = vector.broadcast %add3A_573 : f32 to vector<16xf32>
            %add3A_575 = arith.addf %convert_element_type3A_572, %add3A_574 : vector<16xf32>
            %mul3A_576 = arith.constant 4.000000e+00 : f32
            %mul3A_577 = vector.broadcast %mul3A_576 : f32 to vector<16xf32>
            %mul3A_578 = arith.mulf %add3A_575, %mul3A_577 : vector<16xf32>
            %add3A_579 = arith.constant 5.000000e-01 : f32
            %add3A_580 = arith.addf %convert_element_type3A_145, %add3A_579 : f32
            %mul3A_581 = arith.constant 4.000000e+00 : f32
            %mul3A_582 = arith.mulf %add3A_580, %mul3A_581 : f32
            %eq3A_583 = arith.constant 0 : i32
            %eq3A_584 = arith.cmpi eq, %select_n3A_83, %eq3A_583 : i32
            %broadcast_in_dim3A_585 = vector.broadcast %mul3A_582 : f32 to vector<16xf32>
            %select_n3A_586 = arith.select %eq3A_584, %mul3A_578, %broadcast_in_dim3A_585 : vector<16xf32>
            %lt3A_587 = arith.constant 2 : i32
            %lt3A_588 = arith.cmpi slt, %select_n3A_83, %lt3A_587 : i32
            %sub3A_589 = arith.subf %min3A_567, %min3A_560 : vector<16xf32>
            %mul3A_590 = arith.constant 5.000000e-01 : f32
            %mul3A_591 = vector.broadcast %mul3A_590 : f32 to vector<16xf32>
            %mul3A_592 = arith.mulf %sub3A_589, %mul3A_591 : vector<16xf32>
            %add3A_593 = arith.addf %select_n3A_586, %mul3A_592 : vector<16xf32>
            %add3A_594 = arith.addf %min3A_560, %min3A_567 : vector<16xf32>
            %select_n3A_595 = arith.select %lt3A_588, %add3A_593, %add3A_594 : vector<16xf32>
            %mul3A_596 = arith.constant 128 : i32
            %mul3A_597 = arith.muli %scan3A_144, %mul3A_596 : i32
            %add3A_598 = arith.constant 112 : i32
            %add3A_599 = arith.addi %mul3A_597, %add3A_598 : i32
            %swap3A_600 = arith.index_cast %add3A_599 : i32 to index
            %swap3A_601 = tpu.vector_load %arg8[%swap3A_600] {strides = array<i32>} : memref<16384xf32, #tpu.memory_space<vmem>>, vector<16xf32>,
            %swap3A_602 = vector.shape_cast %swap3A_601 : vector<16xf32> to vector<16xf32>
            %swap3A_603 = vector.shape_cast %select_n3A_595 : vector<16xf32> to vector<16xf32>
            tpu.vector_store %arg8[%swap3A_600], %swap3A_603 {strides = array<i32>} : memref<16384xf32, #tpu.memory_space<vmem>>, vector<16xf32>,
          }
          %scan3A_143 = arith.constant 128 : i32
        } else {
        }
        %mul3A_111 = arith.constant 16384 : i32
        %mul3A_112 = arith.muli %select_n3A_67, %mul3A_111 : i32
        "tpu.region"() ({
          %run_scoped3A = tpu.sem_alloc : memref<!tpu.dma_semaphore, #tpu.memory_space<semaphore_mem>>
          %dma_start3A = tpu.memref_slice %arg4[%select_n3A_83, %select_n3A, %mul3A_112] : memref<85x16x49152xf32, #tpu.memory_space<hbm>> -> memref<1x1x16384xf32, #tpu.memory_space<hbm>>
          %dma_start3A_113 = tpu.memref_squeeze %dma_start3A : memref<1x1x16384xf32, #tpu.memory_space<hbm>> -> memref<16384xf32, #tpu.memory_space<hbm>>
          %dma_start3A_114 = tpu.memref_slice %arg4[%select_n3A_83, %select_n3A, %mul3A_112] : memref<85x16x49152xf32, #tpu.memory_space<hbm>> -> memref<1x1x16384xf32, #tpu.memory_space<hbm>>
          %dma_start3A_115 = tpu.memref_squeeze %dma_start3A_114 : memref<1x1x16384xf32, #tpu.memory_space<hbm>> -> memref<16384xf32, #tpu.memory_space<hbm>>
          tpu.enqueue_dma source(%arg8 : memref<16384xf32, #tpu.memory_space<vmem>>) target(%dma_start3A_115 : memref<16384xf32, #tpu.memory_space<hbm>>) target_semaphore(%run_scoped3A : memref<!tpu.dma_semaphore, #tpu.memory_space<semaphore_mem>>)
          %dma_wait3A = tpu.memref_slice %arg4[%select_n3A_83, %select_n3A, %mul3A_112] : memref<85x16x49152xf32, #tpu.memory_space<hbm>> -> memref<1x1x16384xf32, #tpu.memory_space<hbm>>
          %dma_wait3A_116 = tpu.memref_squeeze %dma_wait3A : memref<1x1x16384xf32, #tpu.memory_space<hbm>> -> memref<16384xf32, #tpu.memory_space<hbm>>
          %dma_wait3A_117 = tpu.memref_slice %arg4[%select_n3A_83, %select_n3A, %mul3A_112] : memref<85x16x49152xf32, #tpu.memory_space<hbm>> -> memref<1x1x16384xf32, #tpu.memory_space<hbm>>
          %dma_wait3A_118 = tpu.memref_squeeze %dma_wait3A_117 : memref<1x1x16384xf32, #tpu.memory_space<hbm>> -> memref<16384xf32, #tpu.memory_space<hbm>>
          tpu.wait_dma2 semaphore(%run_scoped3A : memref<!tpu.dma_semaphore, #tpu.memory_space<semaphore_mem>>) src(%arg8 : memref<16384xf32, #tpu.memory_space<vmem>>) dst(%dma_wait3A_118 : memref<16384xf32, #tpu.memory_space<hbm>>)
          tpu.yield
        }) : () -> ()
      } else {
      }
    }
    %scan3A_6 = arith.constant 128 : i32
    return
  }
}

</mosaic_0001>

<sc_bundles>
// kernel: kernel.3.cloned.1.call-start
scs
__scs_entry_jumppad:
0x0: {  	(pc) =	sbr.rel $0x88, $3  }
0x1: {  	(tag) =	ssettag $0x0;
	lr =	simm.s32 $0x1  }
0x2: {  	[smem:$0x3F9F] =	sst lr;
	_ =	strace $0xD0000000  }
0x3: {  	_ = 	snop  }
0x4: {  	_ = 	snop  }
0x5: {  	_ = 	snop  }
0x6: {  	_ = 	snop  }
0x7: {  	_ = 	snop  }
__scs_overlays_trampoline_lowered:
0x8: {  	[smem:$0x3FAE] =	sst s0  }
0x9: {  	[smem:$0x3FAF] =	sst s1  }
0xa: {  	[smem:$0x3FB0] =	sst s2  }
0xb: {  	[smem:$0x3FB1] =	sst s3  }
0xc: {  	[smem:$0x3FB2] =	sst s4  }
0xd: {  	[smem:$0x3FB3] =	sst s5  }
0xe: {  	[smem:$0x3FB4] =	sst s6  }
0xf: {  	[smem:$0x3FB5] =	sst s7  }
0x10: {  	[smem:$0x3FB6] =	sst s8  }
0x11: {  	[smem:$0x3FB7] =	sst s9;
	s0 =	simm.s32 @!p0 $0x0  }
0x12: {  	s1 =	sld [smem:$0x3F9D];
	s0 =	simm.s32 @p0 $0x1  }
0x13: {  	[smem:$0x3FB8] =	sst s0;
	s0 =	simm.s32 @!p1 $0x0  }
0x14: {  	s2 =	sld [smem:$0x3F9C];
	s0 =	simm.s32 @p1 $0x1  }
0x15: {  	[smem:$0x3FB9] =	sst s0;
	s0 =	simm.s32 @!p2 $0x0  }
0x16: {  	s3 =	sld [smem:$0x3FDB];
	s0 =	simm.s32 @p2 $0x1  }
0x17: {  	s4 =	simm.s32 $0x1BF5;
	[smem:$0x3FBB] =	sst s0  }
0x18: {  	s0 =	sld [smem:$0x3F9E];
	_ =	swait.ge [sflag:s4], $0x0  }
0x19: {  	s7 =	sld [smem:$0x3F9F]  }
0x1a: {  	s8 =	sadd.s32 $0xFFFFE003, lr  }
0x1b: {  	s9 =	sadd.s32 $0xFFFFFEF7, lr;
	s5 =	simm.s32 $0xFFFFFFFF;
	p2 =	slt.u32 s8, $0xFFFFF086  }
0x1c: {  	p1 =	slt.u32 s9, $0xF7A;
	s5 =	simm.s32 @!p2 $0x0  }
0x1d: {  	s5 =	simm.s32 @p1 $0x1;
	p0 =	seq.s32 s7, s2  }
0x1e: {  	s7 =	smul.u32 @!p0 $0xF7A, s2;
	p2 =	seq.s32 @!p0 s5, $0x0  }
0x1f: {  	s9 =	smul.u32 $0xF7A, s1;
	s8 =	simm.s32 @!p0 $0x1BF5;
	p2 =	por !p2, p0  }
0x20: {  	[sflag:s8] =	ssyncset.s32 @!p0 $0xFFFFF086;
	s6 =	sadd.s32 @!p0 s3, s7;
	s7 =	simm.s32 @!p0 $0x108  }
0x21: {  	s3 =	sadd.s32 s3, s9;
	s6 =	sadd.s32 @!p0 $0x88, s6;
	s7 =	simm.s32 @p2 $0x1082  }
0x22: {  	[simem:s7], [sflag:s8] =	dma.local @!p0 [hbm:s6], $0xF7A  }
0x23: {  	s9 =	sor.u32 $0xD0000000, s2;
	s6 =	simm.s32 $0x108;
	_ =	swait.ge @!p0 [sflag:s8], $0x0  }
0x24: {  	s3 =	sadd.s32 $0x88, s3;
	s6 =	simm.s32 @!p1 $0x1082;
	[sflag:s4] =	ssyncset.s32 $0xFFFFF086  }
0x25: {  	[simem:s6], [sflag:s4] =	dma.local [hbm:s3], $0xF7A  }
0x26: {  	[smem:$0x3F9F] =	sst s1;
	(tag) =	ssettag s2;
	_ =	strace s9  }
0x27: {  	s1 =	sld [smem:$0x3FAF]  }
0x28: {  	s2 =	sld [smem:$0x3FB0]  }
0x29: {  	s4 =	sld [smem:$0x3FB2]  }
0x2a: {  	p0 =	seq.s32 s5, $0x0;
	s5 =	sld [smem:$0x3FB3]  }
0x2b: {  	s6 =	sld [smem:$0x3FB4]  }
0x2c: {  	s7 =	sld [smem:$0x3FB5]  }
0x2d: {  	s3 =	simm.s32 $0x108;
	s8 =	sld [smem:$0x3FB6]  }
0x2e: {  	s3 =	simm.s32 @!p0 $0x1082;
	s9 =	sld [smem:$0x3FB7]  }
0x2f: {  	lr =	sadd.s32 s0, s3;
	s0 =	sld [smem:$0x3FAE]  }
0x30: {  	s3 =	sld [smem:$0x3FB1]  }
0x31: {  	[smem:$0x3FBA] =	sst s10  }
0x32: {  	s10 =	sld [smem:$0x3FB8];
	_ =	sdelay $0x3  }
0x33: {  	p0 =	seq.s32 s10, $0x1;
	s10 =	sld [smem:$0x3FBA];
	_ =	sdelay $0x3  }
0x34: {  	[smem:$0x3FBA] =	sst s10  }
0x35: {  	s10 =	sld [smem:$0x3FB9];
	_ =	sdelay $0x3  }
0x36: {  	p1 =	seq.s32 s10, $0x1;
	s10 =	sld [smem:$0x3FBA];
	_ =	sdelay $0x3  }
0x37: {  	[smem:$0x3FBA] =	sst s10  }
0x38: {  	s10 =	sld [smem:$0x3FBB]  }
0x39: {  	_ = 	snop;
	(pc) =	sbr.ind lr, $3  }
0x3a: {  	_ = 	snop  }
0x3b: {  	_ = 	snop  }
0x3c: {  	p2 =	seq.s32 s10, $0x1;
	s10 =	sld [smem:$0x3FBA]  }
0x3d: {  	_ =	shalt  }
0x3e: {  	_ =	shalt  }
0x3f: {  	_ =	shalt  }
0x40: {  	_ =	shalt  }
0x41: {  	_ =	shalt  }
0x42: {  	_ =	shalt  }
0x43: {  	_ =	shalt  }
0x44: {  	_ =	shalt  }
0x45: {  	_ =	shalt  }
0x46: {  	_ =	shalt  }
0x47: {  	_ =	shalt  }
0x48: {  	_ =	shalt  }
0x49: {  	_ =	shalt  }
0x4a: {  	_ =	shalt  }
0x4b: {  	_ =	shalt  }
0x4c: {  	_ =	shalt  }
0x4d: {  	_ =	shalt  }
0x4e: {  	_ =	shalt  }
0x4f: {  	_ =	shalt  }
0x50: {  	_ =	shalt  }
0x51: {  	_ =	shalt  }
0x52: {  	_ =	shalt  }
0x53: {  	_ =	shalt  }
0x54: {  	_ =	shalt  }
0x55: {  	_ =	shalt  }
0x56: {  	_ =	shalt  }
0x57: {  	_ =	shalt  }
0x58: {  	_ =	shalt  }
0x59: {  	_ =	shalt  }
0x5a: {  	_ =	shalt  }
0x5b: {  	_ =	shalt  }
0x5c: {  	_ =	shalt  }
0x5d: {  	_ =	shalt  }
0x5e: {  	_ =	shalt  }
0x5f: {  	_ =	shalt  }
0x60: {  	_ =	shalt  }
0x61: {  	_ =	shalt  }
0x62: {  	_ =	shalt  }
0x63: {  	_ =	shalt  }
0x64: {  	_ =	shalt  }
0x65: {  	_ =	shalt  }
0x66: {  	_ =	shalt  }
0x67: {  	_ =	shalt  }
0x68: {  	_ =	shalt  }
0x69: {  	_ =	shalt  }
0x6a: {  	_ =	shalt  }
0x6b: {  	_ =	shalt  }
0x6c: {  	_ =	shalt  }
0x6d: {  	_ =	shalt  }
0x6e: {  	_ =	shalt  }
0x6f: {  	_ =	shalt  }
0x70: {  	_ =	shalt  }
0x71: {  	_ =	shalt  }
0x72: {  	_ =	shalt  }
0x73: {  	_ =	shalt  }
0x74: {  	_ =	shalt  }
0x75: {  	_ =	shalt  }
0x76: {  	_ =	shalt  }
0x77: {  	_ =	shalt  }
0x78: {  	_ =	shalt  }
0x79: {  	_ =	shalt  }
0x7a: {  	_ =	shalt  }
0x7b: {  	_ =	shalt  }
0x7c: {  	_ =	shalt  }
0x7d: {  	_ =	shalt  }
0x7e: {  	_ =	shalt  }
0x7f: {  	_ =	shalt  }
0x80: {  	_ =	shalt  }
0x81: {  	_ =	shalt  }
0x82: {  	_ =	shalt  }
0x83: {  	_ =	shalt  }
0x84: {  	_ =	shalt  }
0x85: {  	_ =	shalt  }
0x86: {  	_ =	shalt  }
0x87: {  	_ =	shalt  }
.Lfunc_end0:
.L_simem_size_0:
called_computation_lowered:
.L_overlay_start_0:
0x88: {  	s2 =	sld [smem:$0x3FD9]  }
0x89: {  	s3 =	sld [smem:$0x3FFE];
	_ =	sdelay $0x1  }
0x8a: {  	s1 =	srdreg.scid  }
0x8b: {  	s0 =	sand.u32 $0x1, s1  }
0x8c: {  	s17 =	sshll.u32 s0, $0xA;
	s2 =	sadd.s32 s3, s2  }
0x8d: {  	s2 =	sadd.s32 s2, s17  }
0x8e: {  	[smem:$0x3FC6] =	sst s2  }
0x8f: {  	_ = 	snop  }
0x90: {  	s2 =	sld [smem:$0x3FC9]  }
0x91: {  	s18 =	sld [smem:$0x3FD0];
	(tm) =	ssettm $0x1  }
0x92: {  	s4 =	sld [smem:$0x3FFB];
	_ =	sdelay $0x3  }
0x93: {  	_ =	strace s4  }
0x94: {  	s4 =	sld [smem:$0x3FFC];
	_ =	sdelay $0x3  }
0x95: {  	_ =	strace s4  }
0x96: {  	s4 =	sld [smem:$0x3FFD];
	_ =	sdelay $0x3  }
0x97: {  	_ =	strace s4  }
0x98: {  	_ =	strace $0x8FFFFFFF  }
0x99: {  	s19 =	sld [smem:$0x3FDB];
	_ =	sdelay $0x1  }
0x9a: {  	s5 =	simm.s32 $_scs_section_size  }
0x9b: {  	s6 =	simm.s32 $_size__tile_overlayer_lowered;
	s7 =	simm.s32 $_tile_overlayer_lowered  }
0x9c: {  	s22 =	simm.s32 $0x1BFF;
	s21 =	sshll.u32 s7, $0x1;
	s4 =	sadd.s32 s5, s19  }
0x9d: {  	s8 =	simm.s32 $0x0;
	s20 =	sshll.u32 s6, $0x1;
	s6 =	sadd.s32 s21, s4  }
0x9e: {  	[timem:s8], [sflag:s22] =	dma.local [hbm:s6], s20  }
0x9f: {  	_ =	swait.ge [sflag:s22], s20  }
0xa0: {  	s5 =	ssub.s32 $0x0, s20;
	[sflag:s22] =	ssyncset.done $0x0  }
0xa1: {  	[sflag:s22] =	ssyncadd.s32 s5;
	_ =	sdelay $0x1  }
0xa2: {  	s23 =	simm.s32 $0x1B8B  }
0xa3: {  	_ =	swait.ge [sflag:s23], $0x1  }
0xa4: {  	[sflag:s23] =	ssyncset.done $0x0  }
0xa5: {  	s25 =	simm.s32 $0x1B8E;
	s24 =	sld [smem:$0x3FFE];
	[sflag:s23] =	ssyncadd.s32 $0xFFFFFFFF  }
0xa6: {  	s26 =	simm.s32 $execute0_lowered;
	[smem:$0x3FD2] =	sst s25  }
0xa7: {  	s6 =	sshll.u32 s26, $0x1;
	_ =	strace $0x80000046;
	[dreg:$0x1] =	wrdreg $0xFFFFFFFF  }
0xa8: {  	s28 =	simm.s32 $_size_execute0_lowered;
	s4 =	sadd.s32 s4, s6;
	[dreg:$0x0] =	wrdreg $0x0  }
0xa9: {  	s6 =	sshll.u32 s28, $0x1;
	[dreg:$0x2] =	wrdreg s4  }
0xaa: {  	[dreg:$0x3] =	wrdreg s6  }
0xab: {  	[dreg:$0x4] =	wrdreg $0xC0  }
0xac: {  	_ =	task [dreg:s8], $0x5FFFF  }
0xad: {  	[dreg:$0x1] =	wrdreg $0xFFFFFFFF  }
0xae: {  	[dreg:$0x0] =	wrdreg $0x60  }
0xaf: {  	[dreg:$0x2] =	wrdreg s24  }
0xb0: {  	[dreg:$0x3] =	wrdreg s2  }
0xb1: {  	[dreg:$0x4] =	wrdreg s18  }
0xb2: {  	[dreg:$0x5] =	wrdreg $0x9  }
0xb3: {  	_ =	task.clear_ibuf [dreg:s8], $0x6FFFF;
	_ =	strace $0x90000046  }
0xb4: {  	s29 =	simm.s32 $0x9;
	_ =	strace $0x80000048  }
0xb5: {  	_ =	swait.ge [sflag:s29], $0x1  }
0xb6: {  	[sflag:s29] =	ssyncadd.s32 $0xFFFFFFFF  }
0xb7: {  	_ =	strace $0x90000048  }
0xb8: {  	_ =	sfence  }
0xb9: {  	s30 =	sld [smem:$0x0];
	_ =	sdelay $0x2  }
0xba: {  	s31 =	sshll.u32 s1, $0xD;
	s1 =	sshrl.u32 s1, $0x2  }
0xbb: {  	s3 =	sand.u32 $0x4000, s31;
	s1 =	sadd.s32 s1, s30  }
0xbc: {  	s0 =	sor.u32 s3, s0;
	s1 =	sshll.u32 s1, $0x11  }
0xbd: {  	s0 =	sor.u32 s1, s0  }
0xbe: {  	s0 =	sadd.s32 $0x8F2B, s0  }
0xbf: {  	[sflag:s0] =	ssyncadd.remote.s32 $0x1  }
0xc0: {  	_ =	sfence.sel $0xFFFF  }
0xc1: {  	[dreg:$0x0] =	wrdreg $0xFFFFFFFF;
	(pc) =	sbr.abs _section_cstart, $3  }
0xc2: {  	[dreg:$0x1] =	wrdreg $0xFFFFFFFF  }
0xc3: {  	_ =	task.clear_ibuf [dreg:s8], $0x2FFFF;
	_ =	strace $0x9FFFFFFF  }
0xc4: {  	(tm) =	ssettm $0x7FFFFFFF  }
0xc5: {  	_ =	shalt  }
tec
execute0_lowered:
.L_overlay_start_1:
0x0: {  	(tag) =	ssettag $0x1  }
0x1: {  	v0 =	vimm.f32 $6.200000000e+01;
	vm10 =	vcmask $0x300  }
0x2: {  	v1 =	vimm.f32 $1.260000000e+02;
	vm11 =	vcmask $0x704;
	vm12 =	vcmask $0xB08  }
0x3: {  	vm13 =	vcmask $0xF0C;
	vm14 =	vcmask $0x1310;
	vm9 =	vcmask $0x1714  }
0x4: {  	vm8 =	vcmask $0x1B18;
	vm7 =	vcmask $0x1F1C;
	vm6 =	vcmask $0x2320  }
0x5: {  	vm5 =	vcmask $0x2724;
	vm4 =	vcmask $0x2B28;
	vm3 =	vcmask $0x2F2C  }
0x6: {  	vm2 =	vcmask $0x3330;
	vm1 =	vcmask $0x3734;
	vm0 =	vcmask $0x3B38  }
0x7: {  	v2 =	vimm.f32 $1.900000000e+02;
	v3 =	vimm.f32 $2.540000000e+02;
	v4 =	vimm.f32 $3.180000000e+02  }
0x8: {  	v5 =	vimm.f32 $3.820000000e+02;
	v6 =	vimm.f32 $4.460000000e+02;
	v7 =	vimm.f32 $5.100000000e+02  }
0x9: {  	v0 =	vsel vm10, $0x40000000, v0;
	v1 =	vsel vm10, $0x42840000, v1;
	v2 =	vsel vm10, $0x43020000, v2  }
0xa: {  	v3 =	vsel vm10, $0x43420000, v3;
	v4 =	vsel vm10, $0x43810000, v4;
	v5 =	vsel vm10, $0x43A10000, v5  }
0xb: {  	v6 =	vsel vm10, $0x43C10000, v6;
	v7 =	vsel vm10, $0x43E10000, v7;
	v0 =	vsel vm11, $0x40C00000, v0  }
0xc: {  	v1 =	vsel vm11, $0x428C0000, v1;
	v2 =	vsel vm11, $0x43060000, v2;
	v3 =	vsel vm11, $0x43460000, v3  }
0xd: {  	v4 =	vsel vm11, $0x43830000, v4;
	v5 =	vsel vm11, $0x43A30000, v5;
	v6 =	vsel vm11, $0x43C30000, v6  }
0xe: {  	v7 =	vsel vm11, $0x43E30000, v7;
	v0 =	vsel vm12, $0x41200000, v0;
	v1 =	vsel vm12, $0x42940000, v1  }
0xf: {  	v2 =	vsel vm12, $0x430A0000, v2;
	v3 =	vsel vm12, $0x434A0000, v3;
	v4 =	vsel vm12, $0x43850000, v4  }
0x10: {  	v5 =	vsel vm12, $0x43A50000, v5;
	v6 =	vsel vm12, $0x43C50000, v6;
	v7 =	vsel vm12, $0x43E50000, v7  }
0x11: {  	v0 =	vsel vm13, $0x41600000, v0;
	v1 =	vsel vm13, $0x429C0000, v1;
	v2 =	vsel vm13, $0x430E0000, v2  }
0x12: {  	v3 =	vsel vm13, $0x434E0000, v3;
	v4 =	vsel vm13, $0x43870000, v4;
	v5 =	vsel vm13, $0x43A70000, v5  }
0x13: {  	v6 =	vsel vm13, $0x43C70000, v6;
	v7 =	vsel vm13, $0x43E70000, v7;
	v0 =	vsel vm14, $0x41900000, v0  }
0x14: {  	v1 =	vsel vm14, $0x42A40000, v1;
	v2 =	vsel vm14, $0x43120000, v2;
	v3 =	vsel vm14, $0x43520000, v3  }
0x15: {  	v4 =	vsel vm14, $0x43890000, v4;
	v5 =	vsel vm14, $0x43A90000, v5;
	v6 =	vsel vm14, $0x43C90000, v6  }
0x16: {  	v7 =	vsel vm14, $0x43E90000, v7;
	v0 =	vsel vm9, $0x41B00000, v0;
	v1 =	vsel vm9, $0x42AC0000, v1  }
0x17: {  	v2 =	vsel vm9, $0x43160000, v2;
	v3 =	vsel vm9, $0x43560000, v3;
	v4 =	vsel vm9, $0x438B0000, v4  }
0x18: {  	v5 =	vsel vm9, $0x43AB0000, v5;
	v6 =	vsel vm9, $0x43CB0000, v6;
	v7 =	vsel vm9, $0x43EB0000, v7  }
0x19: {  	v0 =	vsel vm8, $0x41D00000, v0;
	v1 =	vsel vm8, $0x42B40000, v1;
	v2 =	vsel vm8, $0x431A0000, v2  }
0x1a: {  	v3 =	vsel vm8, $0x435A0000, v3;
	v4 =	vsel vm8, $0x438D0000, v4;
	v5 =	vsel vm8, $0x43AD0000, v5  }
0x1b: {  	v6 =	vsel vm8, $0x43CD0000, v6;
	v7 =	vsel vm8, $0x43ED0000, v7;
	v0 =	vsel vm7, $0x41F00000, v0  }
0x1c: {  	v1 =	vsel vm7, $0x42BC0000, v1;
	v2 =	vsel vm7, $0x431E0000, v2;
	v3 =	vsel vm7, $0x435E0000, v3  }
0x1d: {  	v4 =	vsel vm7, $0x438F0000, v4;
	v5 =	vsel vm7, $0x43AF0000, v5;
	v6 =	vsel vm7, $0x43CF0000, v6  }
0x1e: {  	v7 =	vsel vm7, $0x43EF0000, v7;
	v0 =	vsel vm6, $0x42080000, v0;
	v1 =	vsel vm6, $0x42C40000, v1  }
0x1f: {  	v2 =	vsel vm6, $0x43220000, v2;
	v3 =	vsel vm6, $0x43620000, v3;
	v4 =	vsel vm6, $0x43910000, v4  }
0x20: {  	v5 =	vsel vm6, $0x43B10000, v5;
	v6 =	vsel vm6, $0x43D10000, v6;
	v7 =	vsel vm6, $0x43F10000, v7  }
0x21: {  	v0 =	vsel vm5, $0x42180000, v0;
	v1 =	vsel vm5, $0x42CC0000, v1;
	v2 =	vsel vm5, $0x43260000, v2  }
0x22: {  	v3 =	vsel vm5, $0x43660000, v3;
	v4 =	vsel vm5, $0x43930000, v4;
	v5 =	vsel vm5, $0x43B30000, v5  }
0x23: {  	v6 =	vsel vm5, $0x43D30000, v6;
	v7 =	vsel vm5, $0x43F30000, v7;
	v0 =	vsel vm4, $0x42280000, v0  }
0x24: {  	v1 =	vsel vm4, $0x42D40000, v1;
	v2 =	vsel vm4, $0x432A0000, v2;
	v3 =	vsel vm4, $0x436A0000, v3  }
0x25: {  	v4 =	vsel vm4, $0x43950000, v4;
	v5 =	vsel vm4, $0x43B50000, v5;
	v6 =	vsel vm4, $0x43D50000, v6  }
0x26: {  	v7 =	vsel vm4, $0x43F50000, v7;
	v0 =	vsel vm3, $0x42380000, v0;
	v1 =	vsel vm3, $0x42DC0000, v1  }
0x27: {  	s5 =	rddreg [dreg:$0x0];
	v2 =	vsel vm3, $0x432E0000, v2;
	v3 =	vsel vm3, $0x436E0000, v3;
	v4 =	vsel vm3, $0x43970000, v4  }
0x28: {  	s0 =	rddreg [dreg:$0x1];
	v5 =	vsel vm3, $0x43B70000, v5;
	v6 =	vsel vm3, $0x43D70000, v6;
	v7 =	vsel vm3, $0x43F70000, v7  }
0x29: {  	s2 =	rddreg [dreg:$0x2];
	v0 =	vsel vm2, $0x42480000, v0;
	v1 =	vsel vm2, $0x42E40000, v1;
	v2 =	vsel vm2, $0x43320000, v2  }
0x2a: {  	s4 =	srdreg.scid;
	s1 =	rddreg [dreg:$0x3];
	s3 =	simm.s32 $0x0;
	v3 =	vsel vm2, $0x43720000, v3;
	v4 =	vsel vm2, $0x43990000, v4;
	v5 =	vsel vm2, $0x43B90000, v5  }
0x2b: {  	s9 =	simm.s32 $0x1;
	s10 =	simm.s32 $0x80;
	s11 =	simm.s32 $0x2;
	v6 =	vsel vm2, $0x43D90000, v6;
	v7 =	vsel vm2, $0x43F90000, v7;
	v0 =	vsel vm1, $0x42580000, v0  }
.Ltmp0:
0x2c: {  	s12 =	simm.s32 $0x400;
	s4 =	sand.u32 $0x1, s4;
	v1 =	vsel vm1, $0x42EC0000, v1;
	v2 =	vsel vm1, $0x43360000, v2;
	v3 =	vsel vm1, $0x43760000, v3;
	(pc) =	sbr.rel .LBB2_1-.Ltmp0, $4  }
0x2d: {  	s13 =	simm.s32 $0x8080;
	s14 =	simm.s32 $0x4080;
	s7 =	ssub.s32 $0x2, s4;
	v4 =	vsel vm1, $0x439B0000, v4;
	v5 =	vsel vm1, $0x43BB0000, v5;
	v6 =	vsel vm1, $0x43DB0000, v6  }
0x2e: {  	s15 =	simm.s32 $0x0;
	[smem:$0x7FF] =	sst s3;
	s8 =	sshrl.u32 s7, $0x1;
	v7 =	vsel vm1, $0x43FB0000, v7;
	v0 =	vsel vm0, $0x42680000, v0;
	v1 =	vsel vm0, $0x42F40000, v1  }
0x2f: {  	s6 =	sadd.s32 $0x400, s5;
	s5 =	stileid.u32;
	s8 =	ssub.s32 s7, s8;
	v2 =	vsel vm0, $0x433A0000, v2;
	v3 =	vsel vm0, $0x437A0000, v3;
	v4 =	vsel vm0, $0x439D0000, v4  }
0x30: {  	_ =	strace $0x80000047;
	s7 =	sshll.u32 s5, $0x1;
	s8 =	smax.u32 s8, $0x1;
	v5 =	vsel vm0, $0x43BD0000, v5;
	v6 =	vsel vm0, $0x43DD0000, v6;
	v7 =	vsel vm0, $0x43FD0000, v7  }
.LBB2_12:
0x31: {  	s15 =	sadd.s32 $0x1, s15  }
0x32: {  	p0 =	sne.s32 s15, s8  }
.Ltmp1:
0x33: {  	_ = 	snop;
	(pc) =	sbr.rel @!p0 .LBB2_13-.Ltmp1, $1  }
0x34: {  	_ =	sdelay $0x3  }
.LBB2_1:
0x35: {  	[tilespmem:s3], [sflag:$0x1] =	stream.linear.gather [hbm4b:s6+s3], $0x80, $0x38;
	[tilespmem:$0xC080] =	vst v63  }
.Ltmp2:
0x36: {  	_ = 	snop;
	(pc) =	sbr.rel .LBB2_2-.Ltmp2, $4  }
0x37: {  	_ =	swait.ge [sflag:s9], $0x80  }
0x38: {  	[sflag:s9] =	ssyncset.done $0x0  }
0x39: {  	[sflag:s9] =	ssyncadd.s32 $0xFFFFFF80  }
0x3a: {  	s16 =	simm.s32 $0x0;
	v8 =	vld [tilespmem:$0x0]  }
.LBB2_9:
0x3b: {  	v9 =	vsub.f32 v12, v11;
	_ =	sdelay $0x1  }
0x3c: {  	v9 =	vmul.f32 $5.000000000e-01, v9;
	_ =	sdelay $0x1  }
0x3d: {  	v11 =	vadd.f32 v12, v11;
	v9 =	vadd.f32 v9, v10;
	_ =	sdelay $0x1  }
0x3e: {  	v9 =	vpsel p0, v9, v11  }
0x3f: {  	[tilespmem:s23+$0x30] =	vst v9  }
.LBB2_10:
0x40: {  	s20 =	sshrl.u32 s17, $0x3  }
0x41: {  	s31 =	sshll.u32 s17, $0x7;
	s20 =	smul.u32 $0x60000, s20  }
0x42: {  	s19 =	smul.u32 $0xC0000, s19;
	s17 =	sand.u32 $0x380, s31  }
0x43: {  	s17 =	sor.u32 s20, s17  }
0x44: {  	s18 =	sshll.u32 s18, $0x11;
	s17 =	sadd.s32 s19, s17  }
0x45: {  	s17 =	sadd.s32 s18, s17  }
0x46: {  	s17 =	sshrl.u32 s17, $0x3  }
0x47: {  	s17 =	sadd.s32 s2, s17  }
0x48: {  	[hbm4b:s17+s10] =	stream.strided.scatter [tilespmem:s13], [sflag:$0x1], $0x4000, s12, s10, $0x38;
	[tilespmem:$0xC080] =	vst v63  }
0x49: {  	_ =	swait.ge [sflag:s9], $0x4000  }
0x4a: {  	[sflag:s9] =	ssyncset.done $0x0  }
0x4b: {  	[sflag:s9] =	ssyncadd.s32 $0xFFFFC000  }
.LBB2_11:
0x4c: {  	s16 =	sadd.s32 $0x1, s16  }
0x4d: {  	p0 =	sne.s32 s16, $0x80  }
.Ltmp3:
0x4e: {  	_ = 	snop;
	(pc) =	sbr.rel @!p0 .LBB2_12-.Ltmp3, $1  }
0x4f: {  	_ =	sdelay $0x3  }
.LBB2_2:
0x50: {  	s17 =	sshll.u32 s16, $0x5  }
0x51: {  	s17 =	sor.u32 s7, s17  }
0x52: {  	p0 =	sgt.u32 s17, $0xFEF  }
.Ltmp4:
0x53: {  	_ = 	snop;
	(pc) =	sbr.rel @p0 .LBB2_11-.Ltmp4, $1  }
0x54: {  	_ =	sdelay $0x3  }
0x55: {  	s18 =	sor.u32 s4, s17  }
0x56: {  	s17 =	smulhi.u32 $0x80808081, s18;
	_ =	sdelay $0x1  }
0x57: {  	s17 =	sshrl.u32 s17, $0x7  }
0x58: {  	s19 =	smul.u32 $0xFF, s17;
	_ =	sdelay $0x1  }
0x59: {  	s20 =	smul.u32 $0x3FC000, s17;
	s23 =	ssub.s32 s18, s19  }
0x5a: {  	s18 =	smul.u32 $0xC1, s23;
	s19 =	sshll.u32 s23, $0xE  }
0x5b: {  	s19 =	sadd.s32 s19, s20  }
0x5c: {  	s18 =	sshrl.u32 s18, $0xE;
	s19 =	sshrl.u32 s19, $0x3  }
0x5d: {  	s22 =	simm.s32 $0x0;
	s21 =	smul.u32 $0x55, s18;
	s19 =	sadd.s32 s0, s19  }
0x5e: {  	[tilespmem:s10], [sflag:$0x2] =	stream.linear.gather [hbm4b:s19+s22], $0x4000, $0x38;
	[tilespmem:$0xC080] =	vst v63  }
0x5f: {  	s21 =	ssub.s32 s23, s21  }
0x60: {  	s19 =	sand.u32 $0xFF, s21  }
0x61: {  	p0 =	slt.u32 s19, $0x4  }
.Ltmp5:
0x62: {  	_ = 	snop;
	(pc) =	sbr.rel @p0 .LBB2_7-.Ltmp5, $4  }
0x63: {  	_ = 	snop  }
0x64: {  	_ =	swait.ge [sflag:s11], $0x4000  }
0x65: {  	[sflag:s11] =	ssyncset.done $0x0  }
0x66: {  	[sflag:s11] =	ssyncadd.s32 $0xFFFFC000  }
0x67: {  	s22 =	simm.s32 $0x0  }
0x68: {  	v9 =	vld [tilespmem:s22+$0xF0]  }
0x69: {  	v10 =	vld [tilespmem:s22+$0xC0];
	_ =	sdelay $0x2  }
0x6a: {  	v11 =	vld [tilespmem:s22+$0xB0]  }
0x6b: {  	v12 =	vld [tilespmem:s22+$0xD0];
	v9 =	vsub.f32 $0.0e+00, v9  }
0x6c: {  	v13 =	vld [tilespmem:s22+$0x80];
	v10 =	vsub.f32 $0.0e+00, v10  }
0x6d: {  	v14 =	vld [tilespmem:s22+$0xE0];
	v9 =	vmul.f32 $1.442695020e+00, v9  }
0x6e: {  	v10 =	vmul.f32 $1.442695020e+00, v10  }
0x6f: {  	v11 =	vsub.f32 $0.0e+00, v11;
	(erf) = vpow2.f32 v9  }
0x70: {  	v9 =	vsub.f32 $0.0e+00, v12;
	(erf) = vpow2.f32 v10  }
0x71: {  	v11 =	vmul.f32 $1.442695020e+00, v11;
	v10 =	vsub.f32 $0.0e+00, v13;
	v13 =	vld [tilespmem:s22+$0x90]  }
0x72: {  	v14 =	vsub.f32 $0.0e+00, v14;
	v12 =	vld [tilespmem:s22+$0xA0];
	v9 =	vmul.f32 $1.442695020e+00, v9  }
0x73: {  	(erf) = vpow2.f32 v11;
	v10 =	vmul.f32 $1.442695020e+00, v10  }
0x74: {  	s20 =	simm.s32 $0x80;
	v11 =	vmul.f32 $1.442695020e+00, v14;
	(erf) = vpow2.f32 v9  }
0x75: {  	v15 =	vld [tilespmem:s20+$0xF0];
	(erf) = vpow2.f32 v10  }
0x76: {  	(erf) = vpow2.f32 v11;
	v11 =	vsub.f32 $0.0e+00, v13;
	v13 =	vld [tilespmem:s20+$0xE0]  }
0x77: {  	v9 =	vsub.f32 $0.0e+00, v12;
	v10 =	vld [tilespmem:s20+$0xC0]  }
0x78: {  	v16 =	vpop (erf)  }
0x79: {  	v14 =	vld [tilespmem:s20+$0xB0];
	v9 =	vmul.f32 $1.442695020e+00, v9;
	v17 =	vpop (erf)  }
0x7a: {  	v12 =	vld [tilespmem:s20+$0xD0];
	v11 =	vmul.f32 $1.442695020e+00, v11;
	v17 =	vadd.f32 $1.000000000e+00, v17  }
0x7b: {  	v18 =	vld [tilespmem:s20+$0x90];
	v15 =	vsub.f32 $0.0e+00, v15;
	(erf) = vpow2.f32 v9;
	v13 =	vsub.f32 $0.0e+00, v13  }
0x7c: {  	v9 =	vld [tilespmem:s20+$0x80];
	v10 =	vsub.f32 $0.0e+00, v10;
	(erf) = vpow2.f32 v11;
	v11 =	vadd.f32 $1.000000000e+00, v16  }
0x7d: {  	v15 =	vmul.f32 $1.442695020e+00, v15;
	v19 =	vpop (erf);
	(erf) = vrcp.f32 v17  }
0x7e: {  	s21 =	simm.s32 $0x100;
	v14 =	vsub.f32 $0.0e+00, v14;
	v16 =	vld [tilespmem:s20+$0xA0];
	v10 =	vmul.f32 $1.442695020e+00, v10;
	v17 =	vpop (erf);
	(erf) = vrcp.f32 v11  }
0x7f: {  	v20 =	vld [tilespmem:s21+$0xF0];
	v12 =	vsub.f32 $0.0e+00, v12;
	v11 =	vmul.f32 $1.442695020e+00, v13;
	v13 =	vpop (erf);
	(erf) = vpow2.f32 v15  }
0x80: {  	v15 =	vadd.f32 $1.000000000e+00, v17;
	v17 =	vpop (erf);
	(erf) = vpow2.f32 v10;
	v10 =	vsub.f32 $0.0e+00, v18;
	v18 =	vld [tilespmem:s21+$0xD0]  }
0x81: {  	v14 =	vmul.f32 $1.442695020e+00, v14;
	v9 =	vsub.f32 $0.0e+00, v9  }
0x82: {  	v12 =	vmul.f32 $1.442695020e+00, v12;
	v17 =	vadd.f32 $1.000000000e+00, v17;
	(erf) = vrcp.f32 v15  }
0x83: {  	v9 =	vmul.f32 $1.442695020e+00, v9;
	v15 =	vsub.f32 $0.0e+00, v16;
	v16 =	vld [tilespmem:s21+$0xE0];
	(erf) = vpow2.f32 v14  }
0x84: {  	v20 =	vsub.f32 $0.0e+00, v20;
	v14 =	vmul.f32 $1.442695020e+00, v10;
	v10 =	vld [tilespmem:s21+$0xC0];
	(erf) = vrcp.f32 v17  }
0x85: {  	v19 =	vadd.f32 $1.000000000e+00, v19;
	v21 =	vpop (erf);
	v17 =	vld [tilespmem:s21+$0x80];
	(erf) = vpow2.f32 v12;
	v18 =	vsub.f32 $0.0e+00, v18  }
0x86: {  	v13 =	vadd.f32 $1.000000000e+00, v13;
	v60 =	vpop (erf);
	v12 =	vadd.f32 $1.000000000e+00, v21;
	(erf) = vpow2.f32 v9  }
0x87: {  	v22 =	vmul.f32 $1.442695020e+00, v15;
	v9 =	vld [tilespmem:s21+$0xB0];
	v61 =	vpop (erf);
	(erf) = vpow2.f32 v11;
	v11 =	vadd.f32 $1.000000000e+00, v60  }
0x88: {  	v23 =	vld [tilespmem:s21+$0x90];
	v15 =	vmul.f32 $1.442695020e+00, v20;
	v16 =	vsub.f32 $0.0e+00, v16;
	(erf) = vrcp.f32 v12;
	v20 =	vpop (erf)  }
0x89: {  	v24 =	vld [tilespmem:s21+$0xA0];
	v25 =	vsub.f32 $0.0e+00, v10;
	v12 =	vmul.f32 $1.442695020e+00, v18;
	(erf) = vrcp.f32 v11;
	v18 =	vpop (erf)  }
0x8a: {  	v11 =	vsub.f32 $0.0e+00, v17;
	v10 =	vmul.f32 $1.442695020e+00, v16;
	(erf) = vrcp.f32 v13;
	v17 =	vpop (erf)  }
0x8b: {  	v16 =	vmul.f32 $1.442695020e+00, v25;
	(erf) = vpow2.f32 v22;
	v62 =	vadd.f32 $1.000000000e+00, v17;
	v17 =	vpop (erf)  }
0x8c: {  	[tilespmem:s22+$0x80C0] =	vst v61;
	v13 =	vmul.f32 $1.442695020e+00, v11;
	v9 =	vsub.f32 $0.0e+00, v9;
	(erf) = vpow2.f32 v14;
	v63 =	vpop (erf)  }
0x8d: {  	[tilespmem:s22+$0x80F0] =	vst v20;
	v11 =	vsub.f32 $0.0e+00, v23;
	v20 =	vadd.f32 $1.000000000e+00, v18;
	(erf) = vrcp.f32 v19;
	v18 =	vpop (erf)  }
0x8e: {  	v14 =	vsub.f32 $0.0e+00, v24;
	[tilespmem:s22+$0x80D0] =	vst v17;
	v17 =	vmul.f32 $1.442695020e+00, v9;
	(erf) = vrcp.f32 v62;
	v19 =	vpop (erf)  }
0x8f: {  	s23 =	simm.s32 $0x600;
	s24 =	simm.s32 $0x800;
	v11 =	vmul.f32 $1.442695020e+00, v11;
	v9 =	vadd.f32 $1.000000000e+00, v63;
	[tilespmem:s22+$0x80E0] =	vst v18;
	(erf) = vrcp.f32 v20;
	v18 =	vpop (erf)  }
.LBB2_5:
0x90: {  	p0 =	seq.s32 s24, $0xFE00  }
0x91: {  	s25 =	sshra.s32 s23, $0x2;
	(erf) = vpow2.f32 v15;
	v18 =	vadd.f32 $1.000000000e+00, v18;
	v22 =	vadd.f32 $1.000000000e+00, v19;
	v19 =	vpop (erf);
	s23 =	smov.u32 s24;
	s24 =	sadd.s32 $0x200, s24  }
0x92: {  	v20 =	vld [tilespmem:s25+$0xF0];
	(erf) = vpow2.f32 v16;
	v16 =	vadd.f32 $1.000000000e+00, v19;
	v19 =	vpop (erf)  }
0x93: {  	v21 =	vld [tilespmem:s25+$0xD0];
	(erf) = vrcp.f32 v22;
	[tilespmem:s22+$0x80A0] =	vst v19;
	v15 =	vpop (erf)  }
0x94: {  	v19 =	vld [tilespmem:s25+$0xE0];
	(erf) = vpow2.f32 v17;
	[tilespmem:s22+$0x8090] =	vst v15;
	v15 =	vpop (erf)  }
0x95: {  	v17 =	vld [tilespmem:s25+$0xC0];
	v22 =	vpop (erf);
	(erf) = vrcp.f32 v16;
	[tilespmem:s22+$0x8080] =	vst v15  }
0x96: {  	v16 =	vld [tilespmem:s25+$0x80];
	(erf) = vpow2.f32 v12;
	v12 =	vadd.f32 $1.000000000e+00, v22;
	v15 =	vpop (erf)  }
0x97: {  	v14 =	vmul.f32 $1.442695020e+00, v14;
	v22 =	vld [tilespmem:s25+$0xB0];
	v26 =	vsub.f32 $0.0e+00, v20;
	(erf) = vpow2.f32 v13;
	v13 =	vpop (erf)  }
0x98: {  	v23 =	vld [tilespmem:s25+$0x90];
	v21 =	vsub.f32 $0.0e+00, v21;
	(erf) = vpow2.f32 v10;
	v10 =	vadd.f32 $1.000000000e+00, v15;
	v24 =	vpop (erf);
	[tilespmem:s22+$0x80B0] =	vst v13;
	s22 =	smov.u32 s20;
	s20 =	smov.u32 s21;
	s21 =	smov.u32 s25  }
0x99: {  	v25 =	vld [tilespmem:s21+$0xA0];
	v27 =	vsub.f32 $0.0e+00, v19;
	v15 =	vmul.f32 $1.442695020e+00, v26;
	(erf) = vrcp.f32 v12;
	v19 =	vpop (erf)  }
0x9a: {  	v17 =	vsub.f32 $0.0e+00, v17;
	v12 =	vmul.f32 $1.442695020e+00, v21;
	v20 =	vpop (erf);
	[tilespmem:s22+$0x80C0] =	vst v24;
	(erf) = vrcp.f32 v10  }
0x9b: {  	v24 =	vsub.f32 $0.0e+00, v16;
	v10 =	vmul.f32 $1.442695020e+00, v27;
	v13 =	vpop (erf);
	[tilespmem:s22+$0x80F0] =	vst v19;
	(erf) = vrcp.f32 v18  }
.Ltmp6:
0x9c: {  	v16 =	vmul.f32 $1.442695020e+00, v17;
	v18 =	vadd.f32 $1.000000000e+00, v13;
	(erf) = vpow2.f32 v14;
	v14 =	vpop (erf);
	(pc) =	sbr.rel @!p0 .LBB2_5-.Ltmp6, $4  }
0x9d: {  	v17 =	vsub.f32 $0.0e+00, v22;
	v13 =	vmul.f32 $1.442695020e+00, v24;
	(erf) = vpow2.f32 v11;
	v21 =	vpop (erf);
	[tilespmem:s22+$0x80D0] =	vst v14  }
0x9e: {  	v20 =	vadd.f32 $1.000000000e+00, v20;
	v11 =	vsub.f32 $0.0e+00, v23;
	(erf) = vrcp.f32 v9;
	v9 =	vpop (erf)  }
0x9f: {  	v14 =	vsub.f32 $0.0e+00, v25;
	v17 =	vmul.f32 $1.442695020e+00, v17;
	(erf) = vrcp.f32 v18;
	v19 =	vpop (erf);
	[tilespmem:s22+$0x80E0] =	vst v9  }
0xa0: {  	v11 =	vmul.f32 $1.442695020e+00, v11;
	v9 =	vadd.f32 $1.000000000e+00, v21;
	v18 =	vpop (erf);
	(erf) = vrcp.f32 v20  }
0xa1: {  	(erf) = vpow2.f32 v15;
	v55 =	vadd.f32 $1.000000000e+00, v19  }
0xa2: {  	v56 =	vpop (erf);
	(erf) = vpow2.f32 v16  }
0xa3: {  	v57 =	vpop (erf);
	v19 =	vadd.f32 $1.000000000e+00, v56;
	(erf) = vrcp.f32 v55  }
0xa4: {  	v58 =	vpop (erf);
	(erf) = vpow2.f32 v17  }
0xa5: {  	s23 =	sshra.s32 s23, $0x2;
	v59 =	vpop (erf);
	(erf) = vrcp.f32 v19  }
0xa6: {  	v20 =	vld [tilespmem:s23+$0xF0];
	v22 =	vpop (erf);
	(erf) = vpow2.f32 v12  }
0xa7: {  	v21 =	vld [tilespmem:s23+$0xD0];
	[tilespmem:s22+$0x80A0] =	vst v57;
	v60 =	vpop (erf);
	v61 =	vadd.f32 $1.000000000e+00, v22;
	(erf) = vpow2.f32 v13  }
0xa8: {  	v16 =	vld [tilespmem:s23+$0xE0];
	[tilespmem:s22+$0x8090] =	vst v58;
	v62 =	vpop (erf);
	(erf) = vpow2.f32 v10;
	v10 =	vadd.f32 $1.000000000e+00, v60  }
0xa9: {  	v29 =	vld [tilespmem:s23+$0xC0];
	[tilespmem:s22+$0x8080] =	vst v59;
	v63 =	vpop (erf);
	(erf) = vrcp.f32 v61  }
0xaa: {  	v28 =	vadd.f32 $1.000000000e+00, v18;
	v30 =	vpop (erf);
	(erf) = vrcp.f32 v10;
	v10 =	vld [tilespmem:s23+$0xB0]  }
0xab: {  	v14 =	vmul.f32 $1.442695020e+00, v14;
	v34 =	vsub.f32 $0.0e+00, v20;
	v31 =	vpop (erf)  }
0xac: {  	v32 =	vpop (erf);
	(erf) = vrcp.f32 v28  }
0xad: {  	v15 =	vmul.f32 $1.442695020e+00, v34;
	(erf) = vpow2.f32 v14;
	v33 =	vpop (erf)  }
0xae: {  	v18 =	vsub.f32 $0.0e+00, v29;
	v35 =	vadd.f32 $1.000000000e+00, v32;
	(erf) = vpow2.f32 v11;
	v11 =	vpop (erf)  }
0xaf: {  	v36 =	vld [tilespmem:s23+$0x80];
	v17 =	vadd.f32 $1.000000000e+00, v31;
	(erf) = vrcp.f32 v9;
	v9 =	vpop (erf);
	v10 =	vsub.f32 $0.0e+00, v10  }
0xb0: {  	v18 =	vmul.f32 $1.442695020e+00, v18;
	(erf) = vrcp.f32 v35;
	v37 =	vpop (erf)  }
0xb1: {  	v23 =	vpop (erf);
	(erf) = vrcp.f32 v17;
	v10 =	vmul.f32 $1.442695020e+00, v10  }
0xb2: {  	v39 =	vadd.f32 $1.000000000e+00, v37;
	(erf) = vpow2.f32 v15;
	v40 =	vpop (erf)  }
0xb3: {  	v38 =	vld [tilespmem:s23+$0x90];
	v21 =	vsub.f32 $0.0e+00, v21;
	[tilespmem:s22+$0x80B0] =	vst v62;
	(erf) = vpow2.f32 v18;
	v41 =	vpop (erf)  }
0xb4: {  	v42 =	vld [tilespmem:s23+$0xA0];
	v22 =	vsub.f32 $0.0e+00, v36;
	v20 =	vadd.f32 $1.000000000e+00, v40;
	(erf) = vrcp.f32 v39;
	v43 =	vpop (erf)  }
0xb5: {  	v16 =	vsub.f32 $0.0e+00, v16;
	v21 =	vmul.f32 $1.442695020e+00, v21;
	(erf) = vpow2.f32 v10;
	v10 =	vpop (erf)  }
0xb6: {  	v22 =	vmul.f32 $1.442695020e+00, v22;
	(erf) = vrcp.f32 v20;
	v24 =	vpop (erf)  }
0xb7: {  	v16 =	vmul.f32 $1.442695020e+00, v16;
	(erf) = vpow2.f32 v21;
	v44 =	vpop (erf)  }
0xb8: {  	v45 =	vadd.f32 $1.000000000e+00, v24;
	(erf) = vpow2.f32 v22;
	v46 =	vpop (erf)  }
0xb9: {  	v18 =	vsub.f32 $0.0e+00, v42;
	(erf) = vpow2.f32 v16;
	v47 =	vadd.f32 $1.000000000e+00, v44;
	v48 =	vpop (erf)  }
0xba: {  	v17 =	vsub.f32 $0.0e+00, v38;
	v23 =	vadd.f32 $1.000000000e+00, v23;
	(erf) = vrcp.f32 v45;
	v49 =	vpop (erf)  }
0xbb: {  	v18 =	vmul.f32 $1.442695020e+00, v18;
	(erf) = vrcp.f32 v47;
	v50 =	vpop (erf)  }
0xbc: {  	v51 =	vmul.f32 $1.442695020e+00, v17;
	(erf) = vrcp.f32 v23;
	v52 =	vpop (erf)  }
0xbd: {  	(erf) = vpow2.f32 v18;
	v53 =	vpop (erf)  }
0xbe: {  	(erf) = vpow2.f32 v51;
	v54 =	vpop (erf)  }
0xbf: {  	[tilespmem:s20+$0x80C0] =	vst v63;
	v55 =	vpop (erf)  }
0xc0: {  	[tilespmem:s20+$0x80E0] =	vst v9;
	v9 =	vadd.f32 $1.000000000e+00, v11;
	v56 =	vpop (erf)  }
0xc1: {  	[tilespmem:s20+$0x80F0] =	vst v30;
	v57 =	vpop (erf)  }
0xc2: {  	[tilespmem:s20+$0x80D0] =	vst v33;
	v11 =	vpop (erf)  }
0xc3: {  	[tilespmem:s20+$0x80A0] =	vst v41;
	v58 =	vadd.f32 $1.000000000e+00, v52;
	v59 =	vpop (erf)  }
0xc4: {  	[tilespmem:s20+$0x8090] =	vst v43;
	v60 =	vadd.f32 $1.000000000e+00, v50;
	(erf) = vrcp.f32 v9;
	v9 =	vpop (erf)  }
0xc5: {  	[tilespmem:s20+$0x8080] =	vst v10;
	(erf) = vrcp.f32 v58;
	v10 =	vadd.f32 $1.000000000e+00, v56;
	v61 =	vpop (erf)  }
0xc6: {  	[tilespmem:s20+$0x80B0] =	vst v46;
	(erf) = vrcp.f32 v60;
	v11 =	vadd.f32 $1.000000000e+00, v11;
	v62 =	vpop (erf)  }
0xc7: {  	[tilespmem:s21+$0x80C0] =	vst v48;
	(erf) = vrcp.f32 v10;
	v10 =	vadd.f32 $1.000000000e+00, v62;
	v63 =	vpop (erf)  }
0xc8: {  	[tilespmem:s21+$0x80F0] =	vst v49;
	(erf) = vrcp.f32 v11;
	v11 =	vadd.f32 $1.000000000e+00, v63  }
0xc9: {  	[tilespmem:s21+$0x80D0] =	vst v53;
	v14 =	vadd.f32 $1.000000000e+00, v57;
	(erf) = vrcp.f32 v10  }
0xca: {  	[tilespmem:s21+$0x80E0] =	vst v55;
	v10 =	vadd.f32 $1.000000000e+00, v54;
	(erf) = vrcp.f32 v11  }
0xcb: {  	[tilespmem:s21+$0x80A0] =	vst v59;
	(erf) = vrcp.f32 v14  }
0xcc: {  	[tilespmem:s21+$0x8090] =	vst v9;
	(erf) = vrcp.f32 v10  }
0xcd: {  	[tilespmem:s21+$0x8080] =	vst v61;
	v9 =	vpop (erf)  }
0xce: {  	[tilespmem:s21+$0x80B0] =	vst v9;
	v10 =	vpop (erf)  }
0xcf: {  	v9 =	vpop (erf);
	[tilespmem:s23+$0x80C0] =	vst v10  }
0xd0: {  	[tilespmem:s23+$0x80F0] =	vst v9;
	v9 =	vpop (erf)  }
0xd1: {  	[tilespmem:s23+$0x80D0] =	vst v9;
	v9 =	vpop (erf)  }
.Ltmp7:
0xd2: {  	[tilespmem:s23+$0x80E0] =	vst v9;
	v9 =	vpop (erf);
	(pc) =	sbr.rel .LBB2_10-.Ltmp7, $4  }
0xd3: {  	[tilespmem:s23+$0x80A0] =	vst v9;
	v9 =	vpop (erf)  }
0xd4: {  	[tilespmem:s23+$0x8090] =	vst v9;
	v9 =	vpop (erf)  }
0xd5: {  	[tilespmem:s23+$0x8080] =	vst v9;
	v9 =	vpop (erf)  }
0xd6: {  	[tilespmem:s23+$0x80B0] =	vst v9  }
.LBB2_7:
0xd7: {  	p0 =	slt.u32 s19, $0x2;
	s21 =	simm.s32 $0x2  }
0xd8: {  	s21 =	simm.s32 @!p0 $0xFFFFFFFE  }
0xd9: {  	s21 =	sadd.s32 s23, s21  }
0xda: {  	s21 =	sshll.u32 s21, $0xE  }
0xdb: {  	s20 =	sadd.s32 s20, s21  }
0xdc: {  	s20 =	sshrl.u32 s20, $0x3  }
0xdd: {  	s20 =	sadd.s32 s0, s20  }
0xde: {  	[tilespmem:s14], [sflag:$0x2] =	stream.linear.gather [hbm4b:s20+s22], $0x4000, $0x38;
	[tilespmem:$0xC080] =	vst v63  }
0xdf: {  	_ =	swait.ge [sflag:s11], $0x4000  }
0xe0: {  	[sflag:s11] =	ssyncset.done $0x0  }
0xe1: {  	s20 =	simm.s32 $0x40C0;
	[sflag:s11] =	ssyncadd.s32 $0xFFFFC000  }
0xe2: {  	s21 =	simm.s32 $0xC0;
	v9 =	vld [tilespmem:s20+$0xFFFFFFC0]  }
0xe3: {  	v10 =	vld [tilespmem:s21+$0xFFFFFFC0];
	_ =	sdelay $0x3  }
0xe4: {  	v9 =	vmul.f32 $1.442695020e+00, v9  }
0xe5: {  	v10 =	vmul.f32 $1.442695020e+00, v10  }
0xe6: {  	(erf) = vpow2.f32 v9  }
0xe7: {  	(erf) = vpow2.f32 v10;
	_ =	sdelay $0x3  }
0xe8: {  	p1 =	sgt.u32 s23, $0xA9;
	s24 =	simm.f32 $2.300000000e+01  }
0xe9: {  	s29 =	sadd.s32 $0xFFFFFFAB, s23;
	s25 =	simm.f32 $3.300000000e+01;
	s30 =	sand.u32 $0x1, s19  }
0xea: {  	s24 =	simm.s32 @!p1 $0x41500000;
	s25 =	simm.s32 @!p1 $0x41200000;
	p1 =	slt.u32 s29, $0x55  }
0xeb: {  	s24 =	simm.s32 @p1 $0x41F00000;
	s25 =	simm.s32 @p1 $0x41800000;
	p1 =	seq.s32 s30, $0x1  }
0xec: {  	s25 =	smov.u32 @p1 s24;
	v10 =	vpop (erf)  }
0xed: {  	v9 =	vmov s25;
	v11 =	vpop (erf)  }
0xee: {  	s31 =	scvt.s32.f32 s22;
	v10 =	vmul.f32 v10, v9;
	v11 =	vmul.f32 v11, v9;
	_ =	sdelay $0x1  }
0xef: {  	s22 =	sadd.f32 $5.000000000e-01, s31;
	v10 =	vmax.f32 v10, $0.0e+00;
	v11 =	vmax.f32 v11, $0.0e+00  }
0xf0: {  	v12 =	vmin.f32 v10, v8;
	v11 =	vmin.f32 v11, v8  }
0xf1: {  	s22 =	smul.f32 $4.000000000e+00, s22;
	v13 =	vsub.f32 v12, v11;
	_ =	sdelay $0x1  }
0xf2: {  	p1 =	seq.s32 s19, $0x0;
	v10 =	vmov s22;
	v13 =	vmul.f32 $5.000000000e-01, v13  }
0xf3: {  	v14 =	vpsel p1, v0, v10  }
0xf4: {  	v11 =	vadd.f32 v12, v11;
	v12 =	vadd.f32 v13, v14;
	_ =	sdelay $0x1  }
0xf5: {  	s22 =	simm.s32 $0x80C0;
	v11 =	vpsel p0, v12, v11  }
0xf6: {  	[tilespmem:s22+$0xFFFFFFC0] =	vst v11  }
0xf7: {  	v11 =	vld [tilespmem:s21+$0xFFFFFFD0]  }
0xf8: {  	v12 =	vld [tilespmem:s20+$0xFFFFFFD0];
	_ =	sdelay $0x3  }
0xf9: {  	v11 =	vmul.f32 $1.442695020e+00, v11  }
0xfa: {  	v12 =	vmul.f32 $1.442695020e+00, v12  }
0xfb: {  	(erf) = vpow2.f32 v11  }
0xfc: {  	(erf) = vpow2.f32 v12;
	_ =	sdelay $0x7  }
0xfd: {  	v11 =	vpop (erf)  }
0xfe: {  	v12 =	vpop (erf)  }
0xff: {  	v11 =	vmul.f32 v11, v9;
	v12 =	vmul.f32 v12, v9;
	_ =	sdelay $0x1  }
0x100: {  	v11 =	vmax.f32 v11, $0.0e+00;
	v12 =	vmax.f32 v12, $0.0e+00  }
0x101: {  	v11 =	vmin.f32 v11, v8;
	v12 =	vmin.f32 v12, v8  }
0x102: {  	v13 =	vsub.f32 v12, v11;
	_ =	sdelay $0x1  }
0x103: {  	v13 =	vmul.f32 $5.000000000e-01, v13  }
0x104: {  	v14 =	vpsel p1, v1, v10  }
0x105: {  	v11 =	vadd.f32 v12, v11;
	v12 =	vadd.f32 v13, v14;
	_ =	sdelay $0x1  }
0x106: {  	v11 =	vpsel p0, v12, v11  }
0x107: {  	[tilespmem:s22+$0xFFFFFFD0] =	vst v11  }
0x108: {  	v11 =	vld [tilespmem:s21+$0xFFFFFFE0]  }
0x109: {  	v12 =	vld [tilespmem:s20+$0xFFFFFFE0];
	_ =	sdelay $0x3  }
0x10a: {  	v11 =	vmul.f32 $1.442695020e+00, v11  }
0x10b: {  	v12 =	vmul.f32 $1.442695020e+00, v12  }
0x10c: {  	(erf) = vpow2.f32 v11  }
0x10d: {  	(erf) = vpow2.f32 v12;
	_ =	sdelay $0x7  }
0x10e: {  	v11 =	vpop (erf)  }
0x10f: {  	v12 =	vpop (erf)  }
0x110: {  	v11 =	vmul.f32 v11, v9;
	v12 =	vmul.f32 v12, v9;
	_ =	sdelay $0x1  }
0x111: {  	v11 =	vmax.f32 v11, $0.0e+00;
	v12 =	vmax.f32 v12, $0.0e+00  }
0x112: {  	v11 =	vmin.f32 v11, v8;
	v12 =	vmin.f32 v12, v8  }
0x113: {  	v13 =	vsub.f32 v12, v11;
	_ =	sdelay $0x1  }
0x114: {  	v13 =	vmul.f32 $5.000000000e-01, v13  }
0x115: {  	v14 =	vpsel p1, v2, v10  }
0x116: {  	v11 =	vadd.f32 v12, v11;
	v12 =	vadd.f32 v13, v14;
	_ =	sdelay $0x1  }
0x117: {  	v11 =	vpsel p0, v12, v11  }
0x118: {  	[tilespmem:s22+$0xFFFFFFE0] =	vst v11  }
0x119: {  	v11 =	vld [tilespmem:s21+$0xFFFFFFF0]  }
0x11a: {  	v12 =	vld [tilespmem:s20+$0xFFFFFFF0];
	_ =	sdelay $0x3  }
0x11b: {  	v11 =	vmul.f32 $1.442695020e+00, v11  }
0x11c: {  	v12 =	vmul.f32 $1.442695020e+00, v12  }
0x11d: {  	(erf) = vpow2.f32 v11  }
0x11e: {  	(erf) = vpow2.f32 v12;
	_ =	sdelay $0x7  }
0x11f: {  	v11 =	vpop (erf)  }
0x120: {  	v12 =	vpop (erf)  }
0x121: {  	v11 =	vmul.f32 v11, v9;
	v12 =	vmul.f32 v12, v9;
	_ =	sdelay $0x1  }
0x122: {  	v11 =	vmax.f32 v11, $0.0e+00;
	v12 =	vmax.f32 v12, $0.0e+00  }
0x123: {  	v11 =	vmin.f32 v11, v8;
	v12 =	vmin.f32 v12, v8  }
0x124: {  	v13 =	vsub.f32 v12, v11;
	_ =	sdelay $0x1  }
0x125: {  	v13 =	vmul.f32 $5.000000000e-01, v13  }
0x126: {  	v14 =	vpsel p1, v3, v10  }
0x127: {  	v11 =	vadd.f32 v12, v11;
	v12 =	vadd.f32 v13, v14;
	_ =	sdelay $0x1  }
0x128: {  	v11 =	vpsel p0, v12, v11  }
0x129: {  	[tilespmem:s22+$0xFFFFFFF0] =	vst v11  }
0x12a: {  	v11 =	vld [tilespmem:s21+$0x0]  }
0x12b: {  	v12 =	vld [tilespmem:s20+$0x0];
	_ =	sdelay $0x3  }
0x12c: {  	v11 =	vmul.f32 $1.442695020e+00, v11  }
0x12d: {  	v12 =	vmul.f32 $1.442695020e+00, v12  }
0x12e: {  	(erf) = vpow2.f32 v11  }
0x12f: {  	(erf) = vpow2.f32 v12;
	_ =	sdelay $0x7  }
0x130: {  	v11 =	vpop (erf)  }
0x131: {  	v12 =	vpop (erf)  }
0x132: {  	v11 =	vmul.f32 v11, v9;
	v12 =	vmul.f32 v12, v9;
	_ =	sdelay $0x1  }
0x133: {  	v11 =	vmax.f32 v11, $0.0e+00;
	v12 =	vmax.f32 v12, $0.0e+00  }
0x134: {  	v11 =	vmin.f32 v11, v8;
	v12 =	vmin.f32 v12, v8  }
0x135: {  	v13 =	vsub.f32 v12, v11;
	_ =	sdelay $0x1  }
0x136: {  	v13 =	vmul.f32 $5.000000000e-01, v13  }
0x137: {  	v14 =	vpsel p1, v4, v10  }
0x138: {  	v11 =	vadd.f32 v12, v11;
	v12 =	vadd.f32 v13, v14;
	_ =	sdelay $0x1  }
0x139: {  	v11 =	vpsel p0, v12, v11  }
0x13a: {  	[tilespmem:s22+$0x0] =	vst v11  }
0x13b: {  	v11 =	vld [tilespmem:s21+$0x10]  }
0x13c: {  	v12 =	vld [tilespmem:s20+$0x10];
	_ =	sdelay $0x3  }
0x13d: {  	v11 =	vmul.f32 $1.442695020e+00, v11  }
0x13e: {  	v12 =	vmul.f32 $1.442695020e+00, v12  }
0x13f: {  	(erf) = vpow2.f32 v11  }
0x140: {  	(erf) = vpow2.f32 v12;
	_ =	sdelay $0x7  }
0x141: {  	v11 =	vpop (erf)  }
0x142: {  	v12 =	vpop (erf)  }
0x143: {  	v11 =	vmul.f32 v11, v9;
	v12 =	vmul.f32 v12, v9;
	_ =	sdelay $0x1  }
0x144: {  	v11 =	vmax.f32 v11, $0.0e+00;
	v12 =	vmax.f32 v12, $0.0e+00  }
0x145: {  	v11 =	vmin.f32 v11, v8;
	v12 =	vmin.f32 v12, v8  }
0x146: {  	v13 =	vsub.f32 v12, v11;
	_ =	sdelay $0x1  }
0x147: {  	v13 =	vmul.f32 $5.000000000e-01, v13  }
0x148: {  	v14 =	vpsel p1, v5, v10  }
0x149: {  	v11 =	vadd.f32 v12, v11;
	v12 =	vadd.f32 v13, v14;
	_ =	sdelay $0x1  }
0x14a: {  	v11 =	vpsel p0, v12, v11  }
0x14b: {  	[tilespmem:s22+$0x10] =	vst v11  }
0x14c: {  	v11 =	vld [tilespmem:s21+$0x20]  }
0x14d: {  	v12 =	vld [tilespmem:s20+$0x20];
	_ =	sdelay $0x3  }
0x14e: {  	v11 =	vmul.f32 $1.442695020e+00, v11  }
0x14f: {  	v12 =	vmul.f32 $1.442695020e+00, v12  }
0x150: {  	(erf) = vpow2.f32 v11  }
0x151: {  	(erf) = vpow2.f32 v12;
	_ =	sdelay $0x7  }
0x152: {  	v11 =	vpop (erf)  }
0x153: {  	v12 =	vpop (erf)  }
0x154: {  	v11 =	vmul.f32 v11, v9;
	v12 =	vmul.f32 v12, v9;
	_ =	sdelay $0x1  }
0x155: {  	v11 =	vmax.f32 v11, $0.0e+00;
	v12 =	vmax.f32 v12, $0.0e+00  }
0x156: {  	v11 =	vmin.f32 v11, v8;
	v12 =	vmin.f32 v12, v8  }
0x157: {  	v13 =	vsub.f32 v12, v11;
	_ =	sdelay $0x1  }
0x158: {  	v13 =	vmul.f32 $5.000000000e-01, v13  }
0x159: {  	v14 =	vpsel p1, v6, v10  }
0x15a: {  	v11 =	vadd.f32 v12, v11;
	v12 =	vadd.f32 v13, v14;
	_ =	sdelay $0x1  }
0x15b: {  	v11 =	vpsel p0, v12, v11  }
0x15c: {  	[tilespmem:s22+$0x20] =	vst v11  }
0x15d: {  	v11 =	vld [tilespmem:s21+$0x30]  }
0x15e: {  	v12 =	vld [tilespmem:s20+$0x30];
	_ =	sdelay $0x3  }
0x15f: {  	v11 =	vmul.f32 $1.442695020e+00, v11  }
0x160: {  	v12 =	vmul.f32 $1.442695020e+00, v12  }
0x161: {  	(erf) = vpow2.f32 v11  }
0x162: {  	(erf) = vpow2.f32 v12;
	_ =	sdelay $0x7  }
0x163: {  	v11 =	vpop (erf)  }
0x164: {  	v12 =	vpop (erf)  }
0x165: {  	v11 =	vmul.f32 v11, v9;
	v12 =	vmul.f32 v12, v9;
	_ =	sdelay $0x1  }
0x166: {  	v11 =	vmax.f32 v11, $0.0e+00;
	v12 =	vmax.f32 v12, $0.0e+00  }
0x167: {  	s23 =	simm.s32 $0x80C0;
	s24 =	simm.s32 $0x1;
	v10 =	vpsel p1, v7, v10;
	v11 =	vmin.f32 v11, v8;
	v12 =	vmin.f32 v12, v8  }
.LBB2_8:
0x168: {  	v13 =	vsub.f32 v12, v11;
	v11 =	vadd.f32 v12, v11;
	s20 =	sadd.s32 $0x80, s20;
	s21 =	sadd.s32 $0x80, s21;
	s22 =	sadd.s32 $0x80, s22  }
0x169: {  	p2 =	sne.s32 s24, $0x7F;
	s25 =	smov.u32 s24;
	s24 =	sadd.s32 $0x1, s24  }
0x16a: {  	v12 =	vmul.f32 $5.000000000e-01, v13;
	_ =	sdelay $0x1  }
0x16b: {  	v10 =	vadd.f32 v12, v10;
	_ =	sdelay $0x1  }
0x16c: {  	v10 =	vpsel p0, v10, v11  }
0x16d: {  	[tilespmem:s23+$0x30] =	vst v10;
	s23 =	smov.u32 s22  }
0x16e: {  	v10 =	vld [tilespmem:s20+$0xFFFFFFC0]  }
0x16f: {  	v11 =	vld [tilespmem:s21+$0xFFFFFFC0];
	_ =	sdelay $0x3  }
0x170: {  	v10 =	vmul.f32 $1.442695020e+00, v10  }
0x171: {  	v11 =	vmul.f32 $1.442695020e+00, v11  }
0x172: {  	(erf) = vpow2.f32 v10  }
0x173: {  	(erf) = vpow2.f32 v11;
	_ =	sdelay $0x7  }
0x174: {  	v10 =	vpop (erf)  }
0x175: {  	v10 =	vmul.f32 v10, v9;
	v11 =	vpop (erf)  }
0x176: {  	s25 =	scvt.s32.f32 s25;
	v11 =	vmul.f32 v11, v9  }
0x177: {  	v10 =	vmax.f32 v10, $0.0e+00  }
0x178: {  	s25 =	sadd.f32 $5.000000000e-01, s25;
	v11 =	vmax.f32 v11, $0.0e+00  }
0x179: {  	v10 =	vmin.f32 v10, v8;
	v11 =	vmin.f32 v11, v8  }
0x17a: {  	s25 =	smul.f32 $4.000000000e+00, s25;
	v12 =	vsub.f32 v10, v11;
	v11 =	vadd.f32 v10, v11;
	_ =	sdelay $0x1  }
0x17b: {  	v10 =	vmov s25;
	v12 =	vmul.f32 $5.000000000e-01, v12  }
0x17c: {  	v13 =	vpsel p1, v0, v10  }
0x17d: {  	v12 =	vadd.f32 v12, v13;
	_ =	sdelay $0x1  }
0x17e: {  	v11 =	vpsel p0, v12, v11  }
0x17f: {  	[tilespmem:s22+$0xFFFFFFC0] =	vst v11  }
0x180: {  	v11 =	vld [tilespmem:s21+$0xFFFFFFD0]  }
0x181: {  	v12 =	vld [tilespmem:s20+$0xFFFFFFD0];
	_ =	sdelay $0x3  }
0x182: {  	v11 =	vmul.f32 $1.442695020e+00, v11  }
0x183: {  	v12 =	vmul.f32 $1.442695020e+00, v12  }
0x184: {  	(erf) = vpow2.f32 v11  }
0x185: {  	(erf) = vpow2.f32 v12;
	_ =	sdelay $0x7  }
0x186: {  	v11 =	vpop (erf)  }
0x187: {  	v11 =	vmul.f32 v11, v9;
	v12 =	vpop (erf)  }
0x188: {  	v12 =	vmul.f32 v12, v9  }
0x189: {  	v11 =	vmax.f32 v11, $0.0e+00  }
0x18a: {  	v11 =	vmin.f32 v11, v8;
	v12 =	vmax.f32 v12, $0.0e+00  }
0x18b: {  	v12 =	vmin.f32 v12, v8  }
0x18c: {  	v13 =	vsub.f32 v12, v11;
	v11 =	vadd.f32 v12, v11;
	_ =	sdelay $0x1  }
0x18d: {  	v12 =	vpsel p1, v1, v10;
	v13 =	vmul.f32 $5.000000000e-01, v13;
	_ =	sdelay $0x1  }
0x18e: {  	v12 =	vadd.f32 v13, v12;
	_ =	sdelay $0x1  }
0x18f: {  	v11 =	vpsel p0, v12, v11  }
0x190: {  	[tilespmem:s22+$0xFFFFFFD0] =	vst v11  }
0x191: {  	v11 =	vld [tilespmem:s21+$0xFFFFFFE0]  }
0x192: {  	v12 =	vld [tilespmem:s20+$0xFFFFFFE0];
	_ =	sdelay $0x3  }
0x193: {  	v11 =	vmul.f32 $1.442695020e+00, v11  }
0x194: {  	v12 =	vmul.f32 $1.442695020e+00, v12  }
0x195: {  	(erf) = vpow2.f32 v11  }
0x196: {  	(erf) = vpow2.f32 v12;
	_ =	sdelay $0x7  }
0x197: {  	v11 =	vpop (erf)  }
0x198: {  	v11 =	vmul.f32 v11, v9;
	v12 =	vpop (erf)  }
0x199: {  	v12 =	vmul.f32 v12, v9  }
0x19a: {  	v11 =	vmax.f32 v11, $0.0e+00  }
0x19b: {  	v11 =	vmin.f32 v11, v8;
	v12 =	vmax.f32 v12, $0.0e+00  }
0x19c: {  	v12 =	vmin.f32 v12, v8  }
0x19d: {  	v13 =	vsub.f32 v12, v11;
	v11 =	vadd.f32 v12, v11  }
0x19e: {  	v12 =	vpsel p1, v2, v10  }
0x19f: {  	v13 =	vmul.f32 $5.000000000e-01, v13;
	_ =	sdelay $0x1  }
0x1a0: {  	v12 =	vadd.f32 v13, v12;
	_ =	sdelay $0x1  }
0x1a1: {  	v11 =	vpsel p0, v12, v11  }
0x1a2: {  	[tilespmem:s22+$0xFFFFFFE0] =	vst v11  }
0x1a3: {  	v11 =	vld [tilespmem:s21+$0xFFFFFFF0]  }
0x1a4: {  	v12 =	vld [tilespmem:s20+$0xFFFFFFF0];
	_ =	sdelay $0x3  }
0x1a5: {  	v11 =	vmul.f32 $1.442695020e+00, v11  }
0x1a6: {  	v12 =	vmul.f32 $1.442695020e+00, v12  }
0x1a7: {  	(erf) = vpow2.f32 v11  }
0x1a8: {  	(erf) = vpow2.f32 v12;
	_ =	sdelay $0x7  }
0x1a9: {  	v11 =	vpop (erf)  }
0x1aa: {  	v11 =	vmul.f32 v11, v9;
	v12 =	vpop (erf)  }
0x1ab: {  	v12 =	vmul.f32 v12, v9  }
0x1ac: {  	v11 =	vmax.f32 v11, $0.0e+00  }
0x1ad: {  	v11 =	vmin.f32 v11, v8;
	v12 =	vmax.f32 v12, $0.0e+00  }
0x1ae: {  	v12 =	vmin.f32 v12, v8  }
0x1af: {  	v13 =	vpsel p1, v3, v10;
	v14 =	vsub.f32 v12, v11;
	v11 =	vadd.f32 v12, v11;
	_ =	sdelay $0x1  }
0x1b0: {  	v12 =	vmul.f32 $5.000000000e-01, v14;
	_ =	sdelay $0x1  }
0x1b1: {  	v12 =	vadd.f32 v12, v13;
	_ =	sdelay $0x1  }
0x1b2: {  	v11 =	vpsel p0, v12, v11  }
0x1b3: {  	[tilespmem:s22+$0xFFFFFFF0] =	vst v11  }
0x1b4: {  	v11 =	vld [tilespmem:s21+$0x0]  }
0x1b5: {  	v12 =	vld [tilespmem:s20+$0x0];
	_ =	sdelay $0x3  }
0x1b6: {  	v11 =	vmul.f32 $1.442695020e+00, v11  }
0x1b7: {  	v12 =	vmul.f32 $1.442695020e+00, v12  }
0x1b8: {  	(erf) = vpow2.f32 v11  }
0x1b9: {  	(erf) = vpow2.f32 v12;
	_ =	sdelay $0x7  }
0x1ba: {  	v11 =	vpop (erf)  }
0x1bb: {  	v11 =	vmul.f32 v11, v9;
	v12 =	vpop (erf)  }
0x1bc: {  	v12 =	vmul.f32 v12, v9  }
0x1bd: {  	v11 =	vmax.f32 v11, $0.0e+00  }
0x1be: {  	v11 =	vmin.f32 v11, v8;
	v12 =	vmax.f32 v12, $0.0e+00  }
0x1bf: {  	v13 =	vpsel p1, v4, v10;
	v12 =	vmin.f32 v12, v8  }
0x1c0: {  	v14 =	vsub.f32 v12, v11;
	v11 =	vadd.f32 v12, v11;
	_ =	sdelay $0x1  }
0x1c1: {  	v12 =	vmul.f32 $5.000000000e-01, v14;
	_ =	sdelay $0x1  }
0x1c2: {  	v12 =	vadd.f32 v12, v13;
	_ =	sdelay $0x1  }
0x1c3: {  	v11 =	vpsel p0, v12, v11  }
0x1c4: {  	[tilespmem:s22+$0x0] =	vst v11  }
0x1c5: {  	v11 =	vld [tilespmem:s21+$0x10]  }
0x1c6: {  	v12 =	vld [tilespmem:s20+$0x10];
	_ =	sdelay $0x3  }
0x1c7: {  	v11 =	vmul.f32 $1.442695020e+00, v11  }
0x1c8: {  	v12 =	vmul.f32 $1.442695020e+00, v12  }
0x1c9: {  	(erf) = vpow2.f32 v11  }
0x1ca: {  	(erf) = vpow2.f32 v12;
	_ =	sdelay $0x7  }
0x1cb: {  	v11 =	vpop (erf)  }
0x1cc: {  	v11 =	vmul.f32 v11, v9;
	v12 =	vpop (erf)  }
0x1cd: {  	v12 =	vmul.f32 v12, v9  }
0x1ce: {  	v11 =	vmax.f32 v11, $0.0e+00  }
0x1cf: {  	v13 =	vpsel p1, v5, v10;
	v11 =	vmin.f32 v11, v8;
	v12 =	vmax.f32 v12, $0.0e+00  }
0x1d0: {  	v12 =	vmin.f32 v12, v8  }
0x1d1: {  	v14 =	vsub.f32 v12, v11;
	v11 =	vadd.f32 v12, v11;
	_ =	sdelay $0x1  }
0x1d2: {  	v12 =	vmul.f32 $5.000000000e-01, v14;
	_ =	sdelay $0x1  }
0x1d3: {  	v12 =	vadd.f32 v12, v13;
	_ =	sdelay $0x1  }
0x1d4: {  	v11 =	vpsel p0, v12, v11  }
0x1d5: {  	[tilespmem:s22+$0x10] =	vst v11  }
0x1d6: {  	v11 =	vld [tilespmem:s21+$0x20]  }
0x1d7: {  	v12 =	vld [tilespmem:s20+$0x20];
	_ =	sdelay $0x3  }
0x1d8: {  	v11 =	vmul.f32 $1.442695020e+00, v11  }
0x1d9: {  	v12 =	vmul.f32 $1.442695020e+00, v12  }
0x1da: {  	(erf) = vpow2.f32 v11  }
0x1db: {  	(erf) = vpow2.f32 v12;
	_ =	sdelay $0x7  }
0x1dc: {  	v11 =	vpop (erf)  }
0x1dd: {  	v11 =	vmul.f32 v11, v9;
	v12 =	vpop (erf)  }
0x1de: {  	v12 =	vmul.f32 v12, v9  }
0x1df: {  	v13 =	vpsel p1, v6, v10;
	v11 =	vmax.f32 v11, $0.0e+00  }
0x1e0: {  	v11 =	vmin.f32 v11, v8;
	v12 =	vmax.f32 v12, $0.0e+00  }
0x1e1: {  	v12 =	vmin.f32 v12, v8  }
0x1e2: {  	v14 =	vsub.f32 v12, v11;
	v11 =	vadd.f32 v12, v11;
	_ =	sdelay $0x1  }
0x1e3: {  	v12 =	vmul.f32 $5.000000000e-01, v14;
	_ =	sdelay $0x1  }
0x1e4: {  	v12 =	vadd.f32 v12, v13;
	_ =	sdelay $0x1  }
0x1e5: {  	v11 =	vpsel p0, v12, v11  }
0x1e6: {  	[tilespmem:s22+$0x20] =	vst v11  }
0x1e7: {  	v11 =	vld [tilespmem:s21+$0x30]  }
0x1e8: {  	v12 =	vld [tilespmem:s20+$0x30];
	_ =	sdelay $0x3  }
0x1e9: {  	v11 =	vmul.f32 $1.442695020e+00, v11  }
0x1ea: {  	v12 =	vmul.f32 $1.442695020e+00, v12  }
0x1eb: {  	(erf) = vpow2.f32 v11  }
0x1ec: {  	(erf) = vpow2.f32 v12;
	_ =	sdelay $0x7  }
0x1ed: {  	v11 =	vpop (erf)  }
.Ltmp8:
0x1ee: {  	v11 =	vmul.f32 v11, v9;
	v12 =	vpop (erf);
	(pc) =	sbr.rel @p2 .LBB2_8-.Ltmp8, $4  }
0x1ef: {  	v10 =	vpsel p1, v7, v10;
	v12 =	vmul.f32 v12, v9  }
0x1f0: {  	v11 =	vmax.f32 v11, $0.0e+00  }
0x1f1: {  	v11 =	vmin.f32 v11, v8;
	v12 =	vmax.f32 v12, $0.0e+00  }
0x1f2: {  	v12 =	vmin.f32 v12, v8  }
.Ltmp9:
0x1f3: {  	_ = 	snop;
	(pc) =	sbr.rel .LBB2_9-.Ltmp9, $1  }
0x1f4: {  	_ =	sdelay $0x3  }
.LBB2_13:
0x1f5: {  	_ =	sfence.sel $0x180000  }
0x1f6: {  	[bflag:$0x0] =	sbarrier.arrive $0xFFFF  }
0x1f7: {  	p0 =	sne.s32 s5, $0x0;
	_ =	strace $0x90000047  }
0x1f8: {  	s0 =	sadd.s32 @!p0 $0x100000, s1;
	[bflag:$0x2] =	sbarrier.arrive $0xFFFF  }
0x1f9: {  	[sflag:s0] =	ssyncadd.tile.s32 @!p0 $0x1;
	_ =	shalt  }
.Lfunc_end2:
_tile_overlayer_lowered:
.L_overlay_start_2:
0x1fa: {  	(tag) =	ssettag $0x2  }
0x1fb: {  	s0 =	rddreg [dreg:$0x0];
	s2 =	stileid.u32  }
0x1fc: {  	s1 =	rddreg [dreg:$0x1];
	p0 =	sne.s32 s2, $0x0  }
0x1fd: {  	s3 =	rddreg [dreg:$0x2];
	[bflag:$0x3] =	sbarrier.arrive $0xFFFF;
	s2 =	simm.s32 @!p0 $0x1C01  }
0x1fe: {  	[timem:s3], [sflag:s2] =	dma.local @!p0 [hbm:s0], s1  }
0x1ff: {  	s0 =	simm.s32 @!p0 $0x1  }
0x200: {  	_ =	swait.ge @!p0 [sflag:s0], s1  }
0x201: {  	s1 =	ssub.s32 @!p0 $0x0, s1;
	[sflag:s0] =	ssyncset.done @!p0 $0x0  }
0x202: {  	[sflag:s0] =	ssyncadd.s32 @!p0 s1  }
0x203: {  	[bflag:$0x3] =	sbarrier.arrive $0xFFFF  }
0x204: {  	_ =	shalt  }

</sc_bundles>
